<compile_context>
chip_gen: v7x
topology: tpu7x:2x2x1
jax: 0.10.2.dev20260603
libtpu: 0.0.44.dev20260713+nightly
codegen_flags: <defaults>
</compile_context>

<pallas_src>
import functools

import jax
import jax.numpy as jnp
from jax import lax
from jax.experimental import pallas as pl
from jax.experimental.pallas import tpu as pltpu
from jax.experimental.pallas import tpu_sc as plsc

BATCH = 4096
SEQ = 200
VOCAB = 512
DMODEL = 1024

_NC = 2
_NS = 16
_NW = _NC * _NS
_L = 16

_ROWS_PER_W = BATCH // _NW

def _hist_body(tokT_hbm, counts_hbm, tok_v, hist_v, sem1, sem2):
    wid = lax.axis_index("s") * _NC + lax.axis_index("c")
    lane = lax.iota(jnp.int32, _L)
    ones = jnp.ones((_L,), jnp.float32)
    zeros = jnp.zeros((_L,), jnp.float32)
    base = wid * _ROWS_PER_W

    cp_tok = pltpu.async_copy(
        tokT_hbm.at[:, pl.ds(base, _ROWS_PER_W)], tok_v, sem1)

    @plsc.parallel_loop(0, (_ROWS_PER_W * VOCAB) // _L, unroll=16)
    def _zero(i):
        hist_v[i // (VOCAB // _L), pl.ds((i % (VOCAB // _L)) * _L, _L)] = zeros
    cp_tok.wait()

    copies = []
    for j in range(_ROWS_PER_W // _L):
        rows_j = j * _L + lane

        @plsc.parallel_loop(0, SEQ, unroll=4)
        def _step(s):
            tok = tok_v[s, pl.ds(j * _L, _L)]
            plsc.addupdate_scatter(hist_v, [rows_j, tok], ones)

        copies.append(pltpu.async_copy(
            hist_v.at[pl.ds(j * _L, _L), :],
            counts_hbm.at[pl.ds(base + j * _L, _L), :], sem2))
    for cp in copies:
        cp.wait()


_hist = functools.partial(
    pl.kernel,
    mesh=plsc.VectorSubcoreMesh(core_axis_name="c", subcore_axis_name="s"),
    compiler_params=pltpu.CompilerParams(needs_layout_passes=False),
    out_type=jax.ShapeDtypeStruct((BATCH, VOCAB), jnp.float32),
    scratch_types=[
        pltpu.VMEM((SEQ, _ROWS_PER_W), jnp.int32),
        pltpu.VMEM((_ROWS_PER_W, VOCAB), jnp.float32),
        pltpu.SemaphoreType.DMA,
        pltpu.SemaphoreType.DMA,
    ],
)(_hist_body)


def _mm_body(counts_ref, w_ref, b_ref, out_ref):
    acc = lax.dot_general(
        counts_ref[...].astype(jnp.bfloat16), w_ref[...],
        dimension_numbers=(((1,), (0,)), ((), ())),
        preferred_element_type=jnp.float32,
    ) + b_ref[...]
    out_ref[...] = acc[:, None, :]


_BM = 1024


def _mm(counts, Wbf, b2d):
    return pl.pallas_call(
        _mm_body,
        grid=(BATCH // _BM,),
        in_specs=[
            pl.BlockSpec((_BM, VOCAB), lambda i: (i, 0)),
            pl.BlockSpec((VOCAB, DMODEL), lambda i: (0, 0)),
            pl.BlockSpec((1, DMODEL), lambda i: (0, 0)),
        ],
        out_specs=pl.BlockSpec((_BM, 1, DMODEL), lambda i: (i, 0, 0)),
        out_shape=jax.ShapeDtypeStruct((BATCH, 1, DMODEL), jnp.float32),
    )(counts, Wbf, b2d)


def kernel(token_ids, W, b):
    tokT = token_ids.astype(jnp.int32).T
    counts = _hist(tokT)
    return _mm(counts, W.astype(jnp.bfloat16).T, b.reshape(1, DMODEL))

# --- scband reference (transcript-rebuilt; emitter-appended) ---
"""Pipeline reference for scband-count-vectorizer-15453292331523 (READ-ONLY COPY).

The authoritative reference and input builder live on the scoring server;
editing this copy changes nothing except your own understanding.
"""

import jax, jax.numpy as jnp
import numpy as np

BATCH = 4096
SEQ = 200
VOCAB_SIZE = 512
D_MODEL = 1024


def setup_inputs(seed: int = 0) -> dict:
    key = jax.random.key(seed)
    k1, k2, k3 = jax.random.split(key, 3)
    # token_ids replace the raw string sentences: each row is one sentence's
    # word-to-vocab-index mapping (all in-vocab, so no 'unknown' branch is hit).
    token_ids = jax.random.randint(k1, (BATCH, SEQ), 0, VOCAB_SIZE, dtype=jnp.int64 if jax.config.read('jax_enable_x64') else jnp.int32)
    # nn.Linear(len(vocab), d_model): weight [d_model, vocab], bias [d_model]
    W = jax.random.normal(k2, (D_MODEL, VOCAB_SIZE), dtype=jnp.float32) * (1.0 / np.sqrt(VOCAB_SIZE))
    b = jax.random.normal(k3, (D_MODEL,), dtype=jnp.float32) * 0.01
    return {"token_ids": token_ids, "W": W, "b": b}


def reference(token_ids, W, b):
    B = token_ids.shape[0]
    V = W.shape[1]
    # Histogram binning: count occurrences of each vocab word per sentence
    # (scatter-add of ones, equivalent to the python word_counts loop).
    counts = jnp.zeros((B, V), dtype=jnp.float32)
    counts = counts.at[jnp.arange(B)[:, None], token_ids].add(1.0)
    # self.proj(count_vectors).unsqueeze(1)
    out = counts @ W.T + b
    return out[:, None, :]

if __name__ == "__main__":
    import jax
    _d = setup_inputs()
    print(jax.jit(kernel)(*tuple(_d.values())))

</pallas_src>

<mosaic_0001>
#map = affine_map<(d0, d1) -> (0, 0)>
module attributes {stable_mosaic.version = 14 : i64} {
  func.func @_hist_body(%arg0: i32, %arg1: i32, %arg2: memref<200x4096xi32, #tpu.memory_space<hbm>>, %arg3: memref<4096x512xf32, #tpu.memory_space<hbm>>, %arg4: memref<200x128xi32, #tpu.memory_space<vmem>>, %arg5: memref<128x512xf32, #tpu.memory_space<vmem>>, %arg6: memref<!tpu.dma_semaphore, #tpu.memory_space<semaphore_mem>>, %arg7: memref<!tpu.dma_semaphore, #tpu.memory_space<semaphore_mem>>) attributes {dimension_semantics = [#tpu.dimension_semantics<core_parallel>, #tpu.dimension_semantics<subcore_parallel>], iteration_bounds = array<i64: 2, 16>, scalar_prefetch = 0 : i64, scratch_operands = 4 : i64, tpu.core_type = #tpu.core_type<sc_vector_subcore>, window_params = [{transform_indices = #map}, {transform_indices = #map}]} {
    %mul3A = arith.constant 2 : i32
    %mul3A_0 = arith.muli %arg1, %mul3A : i32
    %add3A = arith.addi %mul3A_0, %arg0 : i32
    %iota3A = tpu.iota {dimensions = array<i32: 0>} : vector<16xi32>
    %broadcast_in_dim3A = arith.constant 1.000000e+00 : f32
    %broadcast_in_dim3A_1 = vector.broadcast %broadcast_in_dim3A : f32 to vector<16xf32>
    %broadcast_in_dim3A_2 = arith.constant 0.000000e+00 : f32
    %broadcast_in_dim3A_3 = vector.broadcast %broadcast_in_dim3A_2 : f32 to vector<16xf32>
    %mul3A_4 = arith.constant 128 : i32
    %mul3A_5 = arith.muli %add3A, %mul3A_4 : i32
    %dma_start3A = arith.constant 0 : i32
    %dma_start3A_6 = tpu.memref_slice %arg2[%dma_start3A, %mul3A_5] : memref<200x4096xi32, #tpu.memory_space<hbm>> -> memref<200x128xi32, #tpu.memory_space<hbm>>
    %dma_start3A_7 = arith.constant 0 : i32
    %dma_start3A_8 = tpu.memref_slice %arg2[%dma_start3A_7, %mul3A_5] : memref<200x4096xi32, #tpu.memory_space<hbm>> -> memref<200x128xi32, #tpu.memory_space<hbm>>
    tpu.enqueue_dma source(%dma_start3A_8 : memref<200x128xi32, #tpu.memory_space<hbm>>) target(%arg4 : memref<200x128xi32, #tpu.memory_space<vmem>>) target_semaphore(%arg6 : memref<!tpu.dma_semaphore, #tpu.memory_space<semaphore_mem>>)
    %parallel_loop3A = arith.constant 0 : i32
    %parallel_loop3A_9 = arith.constant 4096 : i32
    %parallel_loop3A_10 = arith.constant 1 : i32
    scf.for %parallel_loop3A_238 = %parallel_loop3A to %parallel_loop3A_9 step %parallel_loop3A_10  : i32 {
      %parallel_loop3A_239 = arith.constant 32 : i32
      %parallel_loop3A_240 = arith.divsi %parallel_loop3A_238, %parallel_loop3A_239 : i32
      %parallel_loop3A_241 = arith.constant 0 : i32
      %parallel_loop3A_242 = arith.cmpi sgt, %parallel_loop3A_238, %parallel_loop3A_241 : i32
      %parallel_loop3A_243 = arith.extui %parallel_loop3A_242 : i1 to i32
      %parallel_loop3A_244 = arith.constant 0 : i32
      %parallel_loop3A_245 = arith.cmpi slt, %parallel_loop3A_238, %parallel_loop3A_244 : i32
      %parallel_loop3A_246 = arith.extui %parallel_loop3A_245 : i1 to i32
      %parallel_loop3A_247 = arith.subi %parallel_loop3A_243, %parallel_loop3A_246 : i32
      %parallel_loop3A_248 = arith.constant 0 : i32
      %parallel_loop3A_249 = arith.cmpi sgt, %parallel_loop3A_239, %parallel_loop3A_248 : i32
      %parallel_loop3A_250 = arith.extui %parallel_loop3A_249 : i1 to i32
      %parallel_loop3A_251 = arith.constant 0 : i32
      %parallel_loop3A_252 = arith.cmpi slt, %parallel_loop3A_239, %parallel_loop3A_251 : i32
      %parallel_loop3A_253 = arith.extui %parallel_loop3A_252 : i1 to i32
      %parallel_loop3A_254 = arith.subi %parallel_loop3A_250, %parallel_loop3A_253 : i32
      %parallel_loop3A_255 = arith.cmpi ne, %parallel_loop3A_247, %parallel_loop3A_254 : i32
      %parallel_loop3A_256 = arith.remsi %parallel_loop3A_238, %parallel_loop3A_239 : i32
      %parallel_loop3A_257 = arith.constant 0 : i32
      %parallel_loop3A_258 = arith.cmpi ne, %parallel_loop3A_256, %parallel_loop3A_257 : i32
      %parallel_loop3A_259 = arith.andi %parallel_loop3A_255, %parallel_loop3A_258 : i1
      %parallel_loop3A_260 = arith.constant 1 : i32
      %parallel_loop3A_261 = arith.subi %parallel_loop3A_240, %parallel_loop3A_260 : i32
      %parallel_loop3A_262 = arith.select %parallel_loop3A_259, %parallel_loop3A_261, %parallel_loop3A_240 : i32
      %parallel_loop3A_263 = arith.constant 32 : i32
      %parallel_loop3A_264 = arith.constant 0 : i32
      %parallel_loop3A_265 = arith.cmpi eq, %parallel_loop3A_263, %parallel_loop3A_264 : i32
      %parallel_loop3A_266 = arith.constant 1 : i32
      %parallel_loop3A_267 = arith.select %parallel_loop3A_265, %parallel_loop3A_266, %parallel_loop3A_263 : i32
      %parallel_loop3A_268 = arith.remsi %parallel_loop3A_238, %parallel_loop3A_267 : i32
      %parallel_loop3A_269 = arith.constant 0 : i32
      %parallel_loop3A_270 = arith.cmpi ne, %parallel_loop3A_268, %parallel_loop3A_269 : i32
      %parallel_loop3A_271 = arith.constant 0 : i32
      %parallel_loop3A_272 = arith.cmpi slt, %parallel_loop3A_268, %parallel_loop3A_271 : i32
      %parallel_loop3A_273 = arith.constant 0 : i32
      %parallel_loop3A_274 = arith.cmpi slt, %parallel_loop3A_267, %parallel_loop3A_273 : i32
      %parallel_loop3A_275 = arith.xori %parallel_loop3A_272, %parallel_loop3A_274 : i1
      %parallel_loop3A_276 = arith.andi %parallel_loop3A_275, %parallel_loop3A_270 : i1
      %parallel_loop3A_277 = arith.addi %parallel_loop3A_268, %parallel_loop3A_267 : i32
      %parallel_loop3A_278 = arith.select %parallel_loop3A_276, %parallel_loop3A_277, %parallel_loop3A_268 : i32
      %parallel_loop3A_279 = arith.constant 16 : i32
      %parallel_loop3A_280 = arith.muli %parallel_loop3A_278, %parallel_loop3A_279 : i32
      %parallel_loop3A_281 = arith.index_cast %parallel_loop3A_262 : i32 to index
      %parallel_loop3A_282 = arith.index_cast %parallel_loop3A_280 : i32 to index
      %parallel_loop3A_283 = tpu.vector_load %arg5[%parallel_loop3A_281, %parallel_loop3A_282] {strides = array<i32>} : memref<128x512xf32, #tpu.memory_space<vmem>>, vector<16xf32>,
      tpu.vector_store %arg5[%parallel_loop3A_281, %parallel_loop3A_282], %broadcast_in_dim3A_3 {strides = array<i32>} : memref<128x512xf32, #tpu.memory_space<vmem>>, vector<16xf32>,
    } {sc.loop_unroll_factor = 16 : i64, sc.parallel_access}
    %dma_wait3A = arith.constant 0 : i32
    %dma_wait3A_11 = tpu.memref_slice %arg2[%dma_wait3A, %mul3A_5] : memref<200x4096xi32, #tpu.memory_space<hbm>> -> memref<200x128xi32, #tpu.memory_space<hbm>>
    %dma_wait3A_12 = arith.constant 0 : i32
    %dma_wait3A_13 = tpu.memref_slice %arg2[%dma_wait3A_12, %mul3A_5] : memref<200x4096xi32, #tpu.memory_space<hbm>> -> memref<200x128xi32, #tpu.memory_space<hbm>>
    tpu.wait_dma2 semaphore(%arg6 : memref<!tpu.dma_semaphore, #tpu.memory_space<semaphore_mem>>) src(%dma_wait3A_13 : memref<200x128xi32, #tpu.memory_space<hbm>>) dst(%arg4 : memref<200x128xi32, #tpu.memory_space<vmem>>)
    %add3A_14 = arith.constant 0 : i32
    %add3A_15 = vector.broadcast %add3A_14 : i32 to vector<16xi32>
    %add3A_16 = arith.addi %add3A_15, %iota3A : vector<16xi32>
    %parallel_loop3A_17 = arith.constant 0 : i32
    %parallel_loop3A_18 = arith.constant 200 : i32
    %parallel_loop3A_19 = arith.constant 1 : i32
    scf.for %parallel_loop3A_238 = %parallel_loop3A_17 to %parallel_loop3A_18 step %parallel_loop3A_19  : i32 {
      %parallel_loop3A_239 = arith.index_cast %parallel_loop3A_238 : i32 to index
      %parallel_loop3A_240 = arith.constant 0 : index
      %parallel_loop3A_241 = tpu.vector_load %arg4[%parallel_loop3A_239, %parallel_loop3A_240] {strides = array<i32>} : memref<200x128xi32, #tpu.memory_space<vmem>>, vector<16xi32>,
      tpu.vector_store_idx %arg5[%add3A_16, %parallel_loop3A_241], %broadcast_in_dim3A_1 {add = true} : memref<128x512xf32, #tpu.memory_space<vmem>>[vector<16xi32>, vector<16xi32>], vector<16xf32>,
    } {sc.loop_unroll_factor = 4 : i64, sc.parallel_access}
    %add3A_20 = arith.constant 0 : i32
    %add3A_21 = arith.addi %mul3A_5, %add3A_20 : i32
    %dma_start3A_22 = arith.constant 0 : i32
    %dma_start3A_23 = arith.constant 0 : i32
    %dma_start3A_24 = tpu.memref_slice %arg5[%dma_start3A_22, %dma_start3A_23] : memref<128x512xf32, #tpu.memory_space<vmem>> -> memref<16x512xf32, #tpu.memory_space<vmem>>
    %dma_start3A_25 = arith.constant 0 : i32
    %dma_start3A_26 = tpu.memref_slice %arg3[%add3A_21, %dma_start3A_25] : memref<4096x512xf32, #tpu.memory_space<hbm>> -> memref<16x512xf32, #tpu.memory_space<hbm>>
    %dma_start3A_27 = arith.constant 0 : i32
    %dma_start3A_28 = tpu.memref_slice %arg3[%add3A_21, %dma_start3A_27] : memref<4096x512xf32, #tpu.memory_space<hbm>> -> memref<16x512xf32, #tpu.memory_space<hbm>>
    %dma_start3A_29 = arith.constant 0 : i32
    %dma_start3A_30 = arith.constant 0 : i32
    %dma_start3A_31 = tpu.memref_slice %arg5[%dma_start3A_29, %dma_start3A_30] : memref<128x512xf32, #tpu.memory_space<vmem>> -> memref<16x512xf32, #tpu.memory_space<vmem>>
    tpu.enqueue_dma source(%dma_start3A_31 : memref<16x512xf32, #tpu.memory_space<vmem>>) target(%dma_start3A_28 : memref<16x512xf32, #tpu.memory_space<hbm>>) target_semaphore(%arg7 : memref<!tpu.dma_semaphore, #tpu.memory_space<semaphore_mem>>)
    %add3A_32 = arith.constant 16 : i32
    %add3A_33 = vector.broadcast %add3A_32 : i32 to vector<16xi32>
    %add3A_34 = arith.addi %add3A_33, %iota3A : vector<16xi32>
    %parallel_loop3A_35 = arith.constant 0 : i32
    %parallel_loop3A_36 = arith.constant 200 : i32
    %parallel_loop3A_37 = arith.constant 1 : i32
    scf.for %parallel_loop3A_238 = %parallel_loop3A_35 to %parallel_loop3A_36 step %parallel_loop3A_37  : i32 {
      %parallel_loop3A_239 = arith.index_cast %parallel_loop3A_238 : i32 to index
      %parallel_loop3A_240 = arith.constant 16 : index
      %parallel_loop3A_241 = tpu.vector_load %arg4[%parallel_loop3A_239, %parallel_loop3A_240] {strides = array<i32>} : memref<200x128xi32, #tpu.memory_space<vmem>>, vector<16xi32>,
      tpu.vector_store_idx %arg5[%add3A_34, %parallel_loop3A_241], %broadcast_in_dim3A_1 {add = true} : memref<128x512xf32, #tpu.memory_space<vmem>>[vector<16xi32>, vector<16xi32>], vector<16xf32>,
    } {sc.loop_unroll_factor = 4 : i64, sc.parallel_access}
    %add3A_38 = arith.constant 16 : i32
    %add3A_39 = arith.addi %mul3A_5, %add3A_38 : i32
    %dma_start3A_40 = arith.constant 16 : i32
    %dma_start3A_41 = arith.constant 0 : i32
    %dma_start3A_42 = tpu.memref_slice %arg5[%dma_start3A_40, %dma_start3A_41] : memref<128x512xf32, #tpu.memory_space<vmem>> -> memref<16x512xf32, #tpu.memory_space<vmem>>
    %dma_start3A_43 = arith.constant 0 : i32
    %dma_start3A_44 = tpu.memref_slice %arg3[%add3A_39, %dma_start3A_43] : memref<4096x512xf32, #tpu.memory_space<hbm>> -> memref<16x512xf32, #tpu.memory_space<hbm>>
    %dma_start3A_45 = arith.constant 0 : i32
    %dma_start3A_46 = tpu.memref_slice %arg3[%add3A_39, %dma_start3A_45] : memref<4096x512xf32, #tpu.memory_space<hbm>> -> memref<16x512xf32, #tpu.memory_space<hbm>>
    %dma_start3A_47 = arith.constant 16 : i32
    %dma_start3A_48 = arith.constant 0 : i32
    %dma_start3A_49 = tpu.memref_slice %arg5[%dma_start3A_47, %dma_start3A_48] : memref<128x512xf32, #tpu.memory_space<vmem>> -> memref<16x512xf32, #tpu.memory_space<vmem>>
    tpu.enqueue_dma source(%dma_start3A_49 : memref<16x512xf32, #tpu.memory_space<vmem>>) target(%dma_start3A_46 : memref<16x512xf32, #tpu.memory_space<hbm>>) target_semaphore(%arg7 : memref<!tpu.dma_semaphore, #tpu.memory_space<semaphore_mem>>)
    %add3A_50 = arith.constant 32 : i32
    %add3A_51 = vector.broadcast %add3A_50 : i32 to vector<16xi32>
    %add3A_52 = arith.addi %add3A_51, %iota3A : vector<16xi32>
    %parallel_loop3A_53 = arith.constant 0 : i32
    %parallel_loop3A_54 = arith.constant 200 : i32
    %parallel_loop3A_55 = arith.constant 1 : i32
    scf.for %parallel_loop3A_238 = %parallel_loop3A_53 to %parallel_loop3A_54 step %parallel_loop3A_55  : i32 {
      %parallel_loop3A_239 = arith.index_cast %parallel_loop3A_238 : i32 to index
      %parallel_loop3A_240 = arith.constant 32 : index
      %parallel_loop3A_241 = tpu.vector_load %arg4[%parallel_loop3A_239, %parallel_loop3A_240] {strides = array<i32>} : memref<200x128xi32, #tpu.memory_space<vmem>>, vector<16xi32>,
      tpu.vector_store_idx %arg5[%add3A_52, %parallel_loop3A_241], %broadcast_in_dim3A_1 {add = true} : memref<128x512xf32, #tpu.memory_space<vmem>>[vector<16xi32>, vector<16xi32>], vector<16xf32>,
    } {sc.loop_unroll_factor = 4 : i64, sc.parallel_access}
    %add3A_56 = arith.constant 32 : i32
    %add3A_57 = arith.addi %mul3A_5, %add3A_56 : i32
    %dma_start3A_58 = arith.constant 32 : i32
    %dma_start3A_59 = arith.constant 0 : i32
    %dma_start3A_60 = tpu.memref_slice %arg5[%dma_start3A_58, %dma_start3A_59] : memref<128x512xf32, #tpu.memory_space<vmem>> -> memref<16x512xf32, #tpu.memory_space<vmem>>
    %dma_start3A_61 = arith.constant 0 : i32
    %dma_start3A_62 = tpu.memref_slice %arg3[%add3A_57, %dma_start3A_61] : memref<4096x512xf32, #tpu.memory_space<hbm>> -> memref<16x512xf32, #tpu.memory_space<hbm>>
    %dma_start3A_63 = arith.constant 0 : i32
    %dma_start3A_64 = tpu.memref_slice %arg3[%add3A_57, %dma_start3A_63] : memref<4096x512xf32, #tpu.memory_space<hbm>> -> memref<16x512xf32, #tpu.memory_space<hbm>>
    %dma_start3A_65 = arith.constant 32 : i32
    %dma_start3A_66 = arith.constant 0 : i32
    %dma_start3A_67 = tpu.memref_slice %arg5[%dma_start3A_65, %dma_start3A_66] : memref<128x512xf32, #tpu.memory_space<vmem>> -> memref<16x512xf32, #tpu.memory_space<vmem>>
    tpu.enqueue_dma source(%dma_start3A_67 : memref<16x512xf32, #tpu.memory_space<vmem>>) target(%dma_start3A_64 : memref<16x512xf32, #tpu.memory_space<hbm>>) target_semaphore(%arg7 : memref<!tpu.dma_semaphore, #tpu.memory_space<semaphore_mem>>)
    %add3A_68 = arith.constant 48 : i32
    %add3A_69 = vector.broadcast %add3A_68 : i32 to vector<16xi32>
    %add3A_70 = arith.addi %add3A_69, %iota3A : vector<16xi32>
    %parallel_loop3A_71 = arith.constant 0 : i32
    %parallel_loop3A_72 = arith.constant 200 : i32
    %parallel_loop3A_73 = arith.constant 1 : i32
    scf.for %parallel_loop3A_238 = %parallel_loop3A_71 to %parallel_loop3A_72 step %parallel_loop3A_73  : i32 {
      %parallel_loop3A_239 = arith.index_cast %parallel_loop3A_238 : i32 to index
      %parallel_loop3A_240 = arith.constant 48 : index
      %parallel_loop3A_241 = tpu.vector_load %arg4[%parallel_loop3A_239, %parallel_loop3A_240] {strides = array<i32>} : memref<200x128xi32, #tpu.memory_space<vmem>>, vector<16xi32>,
      tpu.vector_store_idx %arg5[%add3A_70, %parallel_loop3A_241], %broadcast_in_dim3A_1 {add = true} : memref<128x512xf32, #tpu.memory_space<vmem>>[vector<16xi32>, vector<16xi32>], vector<16xf32>,
    } {sc.loop_unroll_factor = 4 : i64, sc.parallel_access}
    %add3A_74 = arith.constant 48 : i32
    %add3A_75 = arith.addi %mul3A_5, %add3A_74 : i32
    %dma_start3A_76 = arith.constant 48 : i32
    %dma_start3A_77 = arith.constant 0 : i32
    %dma_start3A_78 = tpu.memref_slice %arg5[%dma_start3A_76, %dma_start3A_77] : memref<128x512xf32, #tpu.memory_space<vmem>> -> memref<16x512xf32, #tpu.memory_space<vmem>>
    %dma_start3A_79 = arith.constant 0 : i32
    %dma_start3A_80 = tpu.memref_slice %arg3[%add3A_75, %dma_start3A_79] : memref<4096x512xf32, #tpu.memory_space<hbm>> -> memref<16x512xf32, #tpu.memory_space<hbm>>
    %dma_start3A_81 = arith.constant 0 : i32
    %dma_start3A_82 = tpu.memref_slice %arg3[%add3A_75, %dma_start3A_81] : memref<4096x512xf32, #tpu.memory_space<hbm>> -> memref<16x512xf32, #tpu.memory_space<hbm>>
    %dma_start3A_83 = arith.constant 48 : i32
    %dma_start3A_84 = arith.constant 0 : i32
    %dma_start3A_85 = tpu.memref_slice %arg5[%dma_start3A_83, %dma_start3A_84] : memref<128x512xf32, #tpu.memory_space<vmem>> -> memref<16x512xf32, #tpu.memory_space<vmem>>
    tpu.enqueue_dma source(%dma_start3A_85 : memref<16x512xf32, #tpu.memory_space<vmem>>) target(%dma_start3A_82 : memref<16x512xf32, #tpu.memory_space<hbm>>) target_semaphore(%arg7 : memref<!tpu.dma_semaphore, #tpu.memory_space<semaphore_mem>>)
    %add3A_86 = arith.constant 64 : i32
    %add3A_87 = vector.broadcast %add3A_86 : i32 to vector<16xi32>
    %add3A_88 = arith.addi %add3A_87, %iota3A : vector<16xi32>
    %parallel_loop3A_89 = arith.constant 0 : i32
    %parallel_loop3A_90 = arith.constant 200 : i32
    %parallel_loop3A_91 = arith.constant 1 : i32
    scf.for %parallel_loop3A_238 = %parallel_loop3A_89 to %parallel_loop3A_90 step %parallel_loop3A_91  : i32 {
      %parallel_loop3A_239 = arith.index_cast %parallel_loop3A_238 : i32 to index
      %parallel_loop3A_240 = arith.constant 64 : index
      %parallel_loop3A_241 = tpu.vector_load %arg4[%parallel_loop3A_239, %parallel_loop3A_240] {strides = array<i32>} : memref<200x128xi32, #tpu.memory_space<vmem>>, vector<16xi32>,
      tpu.vector_store_idx %arg5[%add3A_88, %parallel_loop3A_241], %broadcast_in_dim3A_1 {add = true} : memref<128x512xf32, #tpu.memory_space<vmem>>[vector<16xi32>, vector<16xi32>], vector<16xf32>,
    } {sc.loop_unroll_factor = 4 : i64, sc.parallel_access}
    %add3A_92 = arith.constant 64 : i32
    %add3A_93 = arith.addi %mul3A_5, %add3A_92 : i32
    %dma_start3A_94 = arith.constant 64 : i32
    %dma_start3A_95 = arith.constant 0 : i32
    %dma_start3A_96 = tpu.memref_slice %arg5[%dma_start3A_94, %dma_start3A_95] : memref<128x512xf32, #tpu.memory_space<vmem>> -> memref<16x512xf32, #tpu.memory_space<vmem>>
    %dma_start3A_97 = arith.constant 0 : i32
    %dma_start3A_98 = tpu.memref_slice %arg3[%add3A_93, %dma_start3A_97] : memref<4096x512xf32, #tpu.memory_space<hbm>> -> memref<16x512xf32, #tpu.memory_space<hbm>>
    %dma_start3A_99 = arith.constant 0 : i32
    %dma_start3A_100 = tpu.memref_slice %arg3[%add3A_93, %dma_start3A_99] : memref<4096x512xf32, #tpu.memory_space<hbm>> -> memref<16x512xf32, #tpu.memory_space<hbm>>
    %dma_start3A_101 = arith.constant 64 : i32
    %dma_start3A_102 = arith.constant 0 : i32
    %dma_start3A_103 = tpu.memref_slice %arg5[%dma_start3A_101, %dma_start3A_102] : memref<128x512xf32, #tpu.memory_space<vmem>> -> memref<16x512xf32, #tpu.memory_space<vmem>>
    tpu.enqueue_dma source(%dma_start3A_103 : memref<16x512xf32, #tpu.memory_space<vmem>>) target(%dma_start3A_100 : memref<16x512xf32, #tpu.memory_space<hbm>>) target_semaphore(%arg7 : memref<!tpu.dma_semaphore, #tpu.memory_space<semaphore_mem>>)
    %add3A_104 = arith.constant 80 : i32
    %add3A_105 = vector.broadcast %add3A_104 : i32 to vector<16xi32>
    %add3A_106 = arith.addi %add3A_105, %iota3A : vector<16xi32>
    %parallel_loop3A_107 = arith.constant 0 : i32
    %parallel_loop3A_108 = arith.constant 200 : i32
    %parallel_loop3A_109 = arith.constant 1 : i32
    scf.for %parallel_loop3A_238 = %parallel_loop3A_107 to %parallel_loop3A_108 step %parallel_loop3A_109  : i32 {
      %parallel_loop3A_239 = arith.index_cast %parallel_loop3A_238 : i32 to index
      %parallel_loop3A_240 = arith.constant 80 : index
      %parallel_loop3A_241 = tpu.vector_load %arg4[%parallel_loop3A_239, %parallel_loop3A_240] {strides = array<i32>} : memref<200x128xi32, #tpu.memory_space<vmem>>, vector<16xi32>,
      tpu.vector_store_idx %arg5[%add3A_106, %parallel_loop3A_241], %broadcast_in_dim3A_1 {add = true} : memref<128x512xf32, #tpu.memory_space<vmem>>[vector<16xi32>, vector<16xi32>], vector<16xf32>,
    } {sc.loop_unroll_factor = 4 : i64, sc.parallel_access}
    %add3A_110 = arith.constant 80 : i32
    %add3A_111 = arith.addi %mul3A_5, %add3A_110 : i32
    %dma_start3A_112 = arith.constant 80 : i32
    %dma_start3A_113 = arith.constant 0 : i32
    %dma_start3A_114 = tpu.memref_slice %arg5[%dma_start3A_112, %dma_start3A_113] : memref<128x512xf32, #tpu.memory_space<vmem>> -> memref<16x512xf32, #tpu.memory_space<vmem>>
    %dma_start3A_115 = arith.constant 0 : i32
    %dma_start3A_116 = tpu.memref_slice %arg3[%add3A_111, %dma_start3A_115] : memref<4096x512xf32, #tpu.memory_space<hbm>> -> memref<16x512xf32, #tpu.memory_space<hbm>>
    %dma_start3A_117 = arith.constant 0 : i32
    %dma_start3A_118 = tpu.memref_slice %arg3[%add3A_111, %dma_start3A_117] : memref<4096x512xf32, #tpu.memory_space<hbm>> -> memref<16x512xf32, #tpu.memory_space<hbm>>
    %dma_start3A_119 = arith.constant 80 : i32
    %dma_start3A_120 = arith.constant 0 : i32
    %dma_start3A_121 = tpu.memref_slice %arg5[%dma_start3A_119, %dma_start3A_120] : memref<128x512xf32, #tpu.memory_space<vmem>> -> memref<16x512xf32, #tpu.memory_space<vmem>>
    tpu.enqueue_dma source(%dma_start3A_121 : memref<16x512xf32, #tpu.memory_space<vmem>>) target(%dma_start3A_118 : memref<16x512xf32, #tpu.memory_space<hbm>>) target_semaphore(%arg7 : memref<!tpu.dma_semaphore, #tpu.memory_space<semaphore_mem>>)
    %add3A_122 = arith.constant 96 : i32
    %add3A_123 = vector.broadcast %add3A_122 : i32 to vector<16xi32>
    %add3A_124 = arith.addi %add3A_123, %iota3A : vector<16xi32>
    %parallel_loop3A_125 = arith.constant 0 : i32
    %parallel_loop3A_126 = arith.constant 200 : i32
    %parallel_loop3A_127 = arith.constant 1 : i32
    scf.for %parallel_loop3A_238 = %parallel_loop3A_125 to %parallel_loop3A_126 step %parallel_loop3A_127  : i32 {
      %parallel_loop3A_239 = arith.index_cast %parallel_loop3A_238 : i32 to index
      %parallel_loop3A_240 = arith.constant 96 : index
      %parallel_loop3A_241 = tpu.vector_load %arg4[%parallel_loop3A_239, %parallel_loop3A_240] {strides = array<i32>} : memref<200x128xi32, #tpu.memory_space<vmem>>, vector<16xi32>,
      tpu.vector_store_idx %arg5[%add3A_124, %parallel_loop3A_241], %broadcast_in_dim3A_1 {add = true} : memref<128x512xf32, #tpu.memory_space<vmem>>[vector<16xi32>, vector<16xi32>], vector<16xf32>,
    } {sc.loop_unroll_factor = 4 : i64, sc.parallel_access}
    %add3A_128 = arith.constant 96 : i32
    %add3A_129 = arith.addi %mul3A_5, %add3A_128 : i32
    %dma_start3A_130 = arith.constant 96 : i32
    %dma_start3A_131 = arith.constant 0 : i32
    %dma_start3A_132 = tpu.memref_slice %arg5[%dma_start3A_130, %dma_start3A_131] : memref<128x512xf32, #tpu.memory_space<vmem>> -> memref<16x512xf32, #tpu.memory_space<vmem>>
    %dma_start3A_133 = arith.constant 0 : i32
    %dma_start3A_134 = tpu.memref_slice %arg3[%add3A_129, %dma_start3A_133] : memref<4096x512xf32, #tpu.memory_space<hbm>> -> memref<16x512xf32, #tpu.memory_space<hbm>>
    %dma_start3A_135 = arith.constant 0 : i32
    %dma_start3A_136 = tpu.memref_slice %arg3[%add3A_129, %dma_start3A_135] : memref<4096x512xf32, #tpu.memory_space<hbm>> -> memref<16x512xf32, #tpu.memory_space<hbm>>
    %dma_start3A_137 = arith.constant 96 : i32
    %dma_start3A_138 = arith.constant 0 : i32
    %dma_start3A_139 = tpu.memref_slice %arg5[%dma_start3A_137, %dma_start3A_138] : memref<128x512xf32, #tpu.memory_space<vmem>> -> memref<16x512xf32, #tpu.memory_space<vmem>>
    tpu.enqueue_dma source(%dma_start3A_139 : memref<16x512xf32, #tpu.memory_space<vmem>>) target(%dma_start3A_136 : memref<16x512xf32, #tpu.memory_space<hbm>>) target_semaphore(%arg7 : memref<!tpu.dma_semaphore, #tpu.memory_space<semaphore_mem>>)
    %add3A_140 = arith.constant 112 : i32
    %add3A_141 = vector.broadcast %add3A_140 : i32 to vector<16xi32>
    %add3A_142 = arith.addi %add3A_141, %iota3A : vector<16xi32>
    %parallel_loop3A_143 = arith.constant 0 : i32
    %parallel_loop3A_144 = arith.constant 200 : i32
    %parallel_loop3A_145 = arith.constant 1 : i32
    scf.for %parallel_loop3A_238 = %parallel_loop3A_143 to %parallel_loop3A_144 step %parallel_loop3A_145  : i32 {
      %parallel_loop3A_239 = arith.index_cast %parallel_loop3A_238 : i32 to index
      %parallel_loop3A_240 = arith.constant 112 : index
      %parallel_loop3A_241 = tpu.vector_load %arg4[%parallel_loop3A_239, %parallel_loop3A_240] {strides = array<i32>} : memref<200x128xi32, #tpu.memory_space<vmem>>, vector<16xi32>,
      tpu.vector_store_idx %arg5[%add3A_142, %parallel_loop3A_241], %broadcast_in_dim3A_1 {add = true} : memref<128x512xf32, #tpu.memory_space<vmem>>[vector<16xi32>, vector<16xi32>], vector<16xf32>,
    } {sc.loop_unroll_factor = 4 : i64, sc.parallel_access}
    %add3A_146 = arith.constant 112 : i32
    %add3A_147 = arith.addi %mul3A_5, %add3A_146 : i32
    %dma_start3A_148 = arith.constant 112 : i32
    %dma_start3A_149 = arith.constant 0 : i32
    %dma_start3A_150 = tpu.memref_slice %arg5[%dma_start3A_148, %dma_start3A_149] : memref<128x512xf32, #tpu.memory_space<vmem>> -> memref<16x512xf32, #tpu.memory_space<vmem>>
    %dma_start3A_151 = arith.constant 0 : i32
    %dma_start3A_152 = tpu.memref_slice %arg3[%add3A_147, %dma_start3A_151] : memref<4096x512xf32, #tpu.memory_space<hbm>> -> memref<16x512xf32, #tpu.memory_space<hbm>>
    %dma_start3A_153 = arith.constant 0 : i32
    %dma_start3A_154 = tpu.memref_slice %arg3[%add3A_147, %dma_start3A_153] : memref<4096x512xf32, #tpu.memory_space<hbm>> -> memref<16x512xf32, #tpu.memory_space<hbm>>
    %dma_start3A_155 = arith.constant 112 : i32
    %dma_start3A_156 = arith.constant 0 : i32
    %dma_start3A_157 = tpu.memref_slice %arg5[%dma_start3A_155, %dma_start3A_156] : memref<128x512xf32, #tpu.memory_space<vmem>> -> memref<16x512xf32, #tpu.memory_space<vmem>>
    tpu.enqueue_dma source(%dma_start3A_157 : memref<16x512xf32, #tpu.memory_space<vmem>>) target(%dma_start3A_154 : memref<16x512xf32, #tpu.memory_space<hbm>>) target_semaphore(%arg7 : memref<!tpu.dma_semaphore, #tpu.memory_space<semaphore_mem>>)
    %dma_wait3A_158 = arith.constant 0 : i32
    %dma_wait3A_159 = arith.constant 0 : i32
    %dma_wait3A_160 = tpu.memref_slice %arg5[%dma_wait3A_158, %dma_wait3A_159] : memref<128x512xf32, #tpu.memory_space<vmem>> -> memref<16x512xf32, #tpu.memory_space<vmem>>
    %dma_wait3A_161 = arith.constant 0 : i32
    %dma_wait3A_162 = tpu.memref_slice %arg3[%add3A_21, %dma_wait3A_161] : memref<4096x512xf32, #tpu.memory_space<hbm>> -> memref<16x512xf32, #tpu.memory_space<hbm>>
    %dma_wait3A_163 = arith.constant 0 : i32
    %dma_wait3A_164 = tpu.memref_slice %arg3[%add3A_21, %dma_wait3A_163] : memref<4096x512xf32, #tpu.memory_space<hbm>> -> memref<16x512xf32, #tpu.memory_space<hbm>>
    %dma_wait3A_165 = arith.constant 0 : i32
    %dma_wait3A_166 = arith.constant 0 : i32
    %dma_wait3A_167 = tpu.memref_slice %arg5[%dma_wait3A_165, %dma_wait3A_166] : memref<128x512xf32, #tpu.memory_space<vmem>> -> memref<16x512xf32, #tpu.memory_space<vmem>>
    tpu.wait_dma2 semaphore(%arg7 : memref<!tpu.dma_semaphore, #tpu.memory_space<semaphore_mem>>) src(%dma_wait3A_167 : memref<16x512xf32, #tpu.memory_space<vmem>>) dst(%dma_wait3A_164 : memref<16x512xf32, #tpu.memory_space<hbm>>)
    %dma_wait3A_168 = arith.constant 16 : i32
    %dma_wait3A_169 = arith.constant 0 : i32
    %dma_wait3A_170 = tpu.memref_slice %arg5[%dma_wait3A_168, %dma_wait3A_169] : memref<128x512xf32, #tpu.memory_space<vmem>> -> memref<16x512xf32, #tpu.memory_space<vmem>>
    %dma_wait3A_171 = arith.constant 0 : i32
    %dma_wait3A_172 = tpu.memref_slice %arg3[%add3A_39, %dma_wait3A_171] : memref<4096x512xf32, #tpu.memory_space<hbm>> -> memref<16x512xf32, #tpu.memory_space<hbm>>
    %dma_wait3A_173 = arith.constant 0 : i32
    %dma_wait3A_174 = tpu.memref_slice %arg3[%add3A_39, %dma_wait3A_173] : memref<4096x512xf32, #tpu.memory_space<hbm>> -> memref<16x512xf32, #tpu.memory_space<hbm>>
    %dma_wait3A_175 = arith.constant 16 : i32
    %dma_wait3A_176 = arith.constant 0 : i32
    %dma_wait3A_177 = tpu.memref_slice %arg5[%dma_wait3A_175, %dma_wait3A_176] : memref<128x512xf32, #tpu.memory_space<vmem>> -> memref<16x512xf32, #tpu.memory_space<vmem>>
    tpu.wait_dma2 semaphore(%arg7 : memref<!tpu.dma_semaphore, #tpu.memory_space<semaphore_mem>>) src(%dma_wait3A_177 : memref<16x512xf32, #tpu.memory_space<vmem>>) dst(%dma_wait3A_174 : memref<16x512xf32, #tpu.memory_space<hbm>>)
    %dma_wait3A_178 = arith.constant 32 : i32
    %dma_wait3A_179 = arith.constant 0 : i32
    %dma_wait3A_180 = tpu.memref_slice %arg5[%dma_wait3A_178, %dma_wait3A_179] : memref<128x512xf32, #tpu.memory_space<vmem>> -> memref<16x512xf32, #tpu.memory_space<vmem>>
    %dma_wait3A_181 = arith.constant 0 : i32
    %dma_wait3A_182 = tpu.memref_slice %arg3[%add3A_57, %dma_wait3A_181] : memref<4096x512xf32, #tpu.memory_space<hbm>> -> memref<16x512xf32, #tpu.memory_space<hbm>>
    %dma_wait3A_183 = arith.constant 0 : i32
    %dma_wait3A_184 = tpu.memref_slice %arg3[%add3A_57, %dma_wait3A_183] : memref<4096x512xf32, #tpu.memory_space<hbm>> -> memref<16x512xf32, #tpu.memory_space<hbm>>
    %dma_wait3A_185 = arith.constant 32 : i32
    %dma_wait3A_186 = arith.constant 0 : i32
    %dma_wait3A_187 = tpu.memref_slice %arg5[%dma_wait3A_185, %dma_wait3A_186] : memref<128x512xf32, #tpu.memory_space<vmem>> -> memref<16x512xf32, #tpu.memory_space<vmem>>
    tpu.wait_dma2 semaphore(%arg7 : memref<!tpu.dma_semaphore, #tpu.memory_space<semaphore_mem>>) src(%dma_wait3A_187 : memref<16x512xf32, #tpu.memory_space<vmem>>) dst(%dma_wait3A_184 : memref<16x512xf32, #tpu.memory_space<hbm>>)
    %dma_wait3A_188 = arith.constant 48 : i32
    %dma_wait3A_189 = arith.constant 0 : i32
    %dma_wait3A_190 = tpu.memref_slice %arg5[%dma_wait3A_188, %dma_wait3A_189] : memref<128x512xf32, #tpu.memory_space<vmem>> -> memref<16x512xf32, #tpu.memory_space<vmem>>
    %dma_wait3A_191 = arith.constant 0 : i32
    %dma_wait3A_192 = tpu.memref_slice %arg3[%add3A_75, %dma_wait3A_191] : memref<4096x512xf32, #tpu.memory_space<hbm>> -> memref<16x512xf32, #tpu.memory_space<hbm>>
    %dma_wait3A_193 = arith.constant 0 : i32
    %dma_wait3A_194 = tpu.memref_slice %arg3[%add3A_75, %dma_wait3A_193] : memref<4096x512xf32, #tpu.memory_space<hbm>> -> memref<16x512xf32, #tpu.memory_space<hbm>>
    %dma_wait3A_195 = arith.constant 48 : i32
    %dma_wait3A_196 = arith.constant 0 : i32
    %dma_wait3A_197 = tpu.memref_slice %arg5[%dma_wait3A_195, %dma_wait3A_196] : memref<128x512xf32, #tpu.memory_space<vmem>> -> memref<16x512xf32, #tpu.memory_space<vmem>>
    tpu.wait_dma2 semaphore(%arg7 : memref<!tpu.dma_semaphore, #tpu.memory_space<semaphore_mem>>) src(%dma_wait3A_197 : memref<16x512xf32, #tpu.memory_space<vmem>>) dst(%dma_wait3A_194 : memref<16x512xf32, #tpu.memory_space<hbm>>)
    %dma_wait3A_198 = arith.constant 64 : i32
    %dma_wait3A_199 = arith.constant 0 : i32
    %dma_wait3A_200 = tpu.memref_slice %arg5[%dma_wait3A_198, %dma_wait3A_199] : memref<128x512xf32, #tpu.memory_space<vmem>> -> memref<16x512xf32, #tpu.memory_space<vmem>>
    %dma_wait3A_201 = arith.constant 0 : i32
    %dma_wait3A_202 = tpu.memref_slice %arg3[%add3A_93, %dma_wait3A_201] : memref<4096x512xf32, #tpu.memory_space<hbm>> -> memref<16x512xf32, #tpu.memory_space<hbm>>
    %dma_wait3A_203 = arith.constant 0 : i32
    %dma_wait3A_204 = tpu.memref_slice %arg3[%add3A_93, %dma_wait3A_203] : memref<4096x512xf32, #tpu.memory_space<hbm>> -> memref<16x512xf32, #tpu.memory_space<hbm>>
    %dma_wait3A_205 = arith.constant 64 : i32
    %dma_wait3A_206 = arith.constant 0 : i32
    %dma_wait3A_207 = tpu.memref_slice %arg5[%dma_wait3A_205, %dma_wait3A_206] : memref<128x512xf32, #tpu.memory_space<vmem>> -> memref<16x512xf32, #tpu.memory_space<vmem>>
    tpu.wait_dma2 semaphore(%arg7 : memref<!tpu.dma_semaphore, #tpu.memory_space<semaphore_mem>>) src(%dma_wait3A_207 : memref<16x512xf32, #tpu.memory_space<vmem>>) dst(%dma_wait3A_204 : memref<16x512xf32, #tpu.memory_space<hbm>>)
    %dma_wait3A_208 = arith.constant 80 : i32
    %dma_wait3A_209 = arith.constant 0 : i32
    %dma_wait3A_210 = tpu.memref_slice %arg5[%dma_wait3A_208, %dma_wait3A_209] : memref<128x512xf32, #tpu.memory_space<vmem>> -> memref<16x512xf32, #tpu.memory_space<vmem>>
    %dma_wait3A_211 = arith.constant 0 : i32
    %dma_wait3A_212 = tpu.memref_slice %arg3[%add3A_111, %dma_wait3A_211] : memref<4096x512xf32, #tpu.memory_space<hbm>> -> memref<16x512xf32, #tpu.memory_space<hbm>>
    %dma_wait3A_213 = arith.constant 0 : i32
    %dma_wait3A_214 = tpu.memref_slice %arg3[%add3A_111, %dma_wait3A_213] : memref<4096x512xf32, #tpu.memory_space<hbm>> -> memref<16x512xf32, #tpu.memory_space<hbm>>
    %dma_wait3A_215 = arith.constant 80 : i32
    %dma_wait3A_216 = arith.constant 0 : i32
    %dma_wait3A_217 = tpu.memref_slice %arg5[%dma_wait3A_215, %dma_wait3A_216] : memref<128x512xf32, #tpu.memory_space<vmem>> -> memref<16x512xf32, #tpu.memory_space<vmem>>
    tpu.wait_dma2 semaphore(%arg7 : memref<!tpu.dma_semaphore, #tpu.memory_space<semaphore_mem>>) src(%dma_wait3A_217 : memref<16x512xf32, #tpu.memory_space<vmem>>) dst(%dma_wait3A_214 : memref<16x512xf32, #tpu.memory_space<hbm>>)
    %dma_wait3A_218 = arith.constant 96 : i32
    %dma_wait3A_219 = arith.constant 0 : i32
    %dma_wait3A_220 = tpu.memref_slice %arg5[%dma_wait3A_218, %dma_wait3A_219] : memref<128x512xf32, #tpu.memory_space<vmem>> -> memref<16x512xf32, #tpu.memory_space<vmem>>
    %dma_wait3A_221 = arith.constant 0 : i32
    %dma_wait3A_222 = tpu.memref_slice %arg3[%add3A_129, %dma_wait3A_221] : memref<4096x512xf32, #tpu.memory_space<hbm>> -> memref<16x512xf32, #tpu.memory_space<hbm>>
    %dma_wait3A_223 = arith.constant 0 : i32
    %dma_wait3A_224 = tpu.memref_slice %arg3[%add3A_129, %dma_wait3A_223] : memref<4096x512xf32, #tpu.memory_space<hbm>> -> memref<16x512xf32, #tpu.memory_space<hbm>>
    %dma_wait3A_225 = arith.constant 96 : i32
    %dma_wait3A_226 = arith.constant 0 : i32
    %dma_wait3A_227 = tpu.memref_slice %arg5[%dma_wait3A_225, %dma_wait3A_226] : memref<128x512xf32, #tpu.memory_space<vmem>> -> memref<16x512xf32, #tpu.memory_space<vmem>>
    tpu.wait_dma2 semaphore(%arg7 : memref<!tpu.dma_semaphore, #tpu.memory_space<semaphore_mem>>) src(%dma_wait3A_227 : memref<16x512xf32, #tpu.memory_space<vmem>>) dst(%dma_wait3A_224 : memref<16x512xf32, #tpu.memory_space<hbm>>)
    %dma_wait3A_228 = arith.constant 112 : i32
    %dma_wait3A_229 = arith.constant 0 : i32
    %dma_wait3A_230 = tpu.memref_slice %arg5[%dma_wait3A_228, %dma_wait3A_229] : memref<128x512xf32, #tpu.memory_space<vmem>> -> memref<16x512xf32, #tpu.memory_space<vmem>>
    %dma_wait3A_231 = arith.constant 0 : i32
    %dma_wait3A_232 = tpu.memref_slice %arg3[%add3A_147, %dma_wait3A_231] : memref<4096x512xf32, #tpu.memory_space<hbm>> -> memref<16x512xf32, #tpu.memory_space<hbm>>
    %dma_wait3A_233 = arith.constant 0 : i32
    %dma_wait3A_234 = tpu.memref_slice %arg3[%add3A_147, %dma_wait3A_233] : memref<4096x512xf32, #tpu.memory_space<hbm>> -> memref<16x512xf32, #tpu.memory_space<hbm>>
    %dma_wait3A_235 = arith.constant 112 : i32
    %dma_wait3A_236 = arith.constant 0 : i32
    %dma_wait3A_237 = tpu.memref_slice %arg5[%dma_wait3A_235, %dma_wait3A_236] : memref<128x512xf32, #tpu.memory_space<vmem>> -> memref<16x512xf32, #tpu.memory_space<vmem>>
    tpu.wait_dma2 semaphore(%arg7 : memref<!tpu.dma_semaphore, #tpu.memory_space<semaphore_mem>>) src(%dma_wait3A_237 : memref<16x512xf32, #tpu.memory_space<vmem>>) dst(%dma_wait3A_234 : memref<16x512xf32, #tpu.memory_space<hbm>>)
    return
  }
}

module attributes {stable_mosaic.version = 14 : i64} {
  func.func @_mm_body(%arg0: i32, %arg1: memref<1024x512xf32, #tpu.memory_space<vmem>>, %arg2: memref<512x1024xbf16, #tpu.memory_space<vmem>>, %arg3: memref<1x1024xf32, #tpu.memory_space<vmem>>, %arg4: memref<1024x1x1024xf32, #tpu.memory_space<vmem>>) attributes {dimension_semantics = [#tpu.dimension_semantics<arbitrary>], iteration_bounds = array<i64: 4>, scalar_prefetch = 0 : i64, scratch_operands = 0 : i64, tpu.core_type = #tpu.core_type<tc>, window_params = [{transform_indices = @transform_0, window_bounds = array<i64: 1024, 512>}, {pipeline_mode = #tpu.pipeline_mode<synchronous>, transform_indices = @transform_1, window_bounds = array<i64: 512, 1024>}, {pipeline_mode = #tpu.pipeline_mode<synchronous>, transform_indices = @transform_2, window_bounds = array<i64: 1, 1024>}, {transform_indices = @transform_3, window_bounds = array<i64: 1024, 1, 1024>}]} {
    %get3A = arith.constant 0 : index
    %get3A_0 = arith.constant 0 : index
    %get3A_1 = vector.load %arg1[%get3A, %get3A_0] : memref<1024x512xf32, #tpu.memory_space<vmem>>, vector<1024x512xf32>
    %convert_element_type3A = arith.truncf %get3A_1 : vector<1024x512xf32> to vector<1024x512xbf16>
    %get3A_2 = arith.constant 0 : index
    %get3A_3 = arith.constant 0 : index
    %get3A_4 = vector.load %arg2[%get3A_2, %get3A_3] : memref<512x1024xbf16, #tpu.memory_space<vmem>>, vector<512x1024xbf16>
    %dot_general3A = arith.constant dense<0.000000e+00> : vector<1024x1024xf32>
    %dot_general3A_5 = tpu.matmul %convert_element_type3A, %get3A_4, %dot_general3A {dimension_numbers = #tpu.dot_dimension_numbers<[1], [0], [0], [1], [0, 0, 1, 1], [], []>, transpose_lhs_hint = false} : vector<1024x512xbf16>, vector<512x1024xbf16>, vector<1024x1024xf32> -> vector<1024x1024xf32>
    %get3A_6 = arith.constant 0 : index
    %get3A_7 = arith.constant 0 : index
    %get3A_8 = vector.load %arg3[%get3A_6, %get3A_7] : memref<1x1024xf32, #tpu.memory_space<vmem>>, vector<1x1024xf32>
    %add3A = vector.broadcast %get3A_8 : vector<1x1024xf32> to vector<1024x1024xf32>
    %add3A_9 = arith.addf %dot_general3A_5, %add3A : vector<1024x1024xf32>
    %broadcast_in_dim3A = vector.shape_cast %add3A_9 : vector<1024x1024xf32> to vector<1024x1x1024xf32>
    %swap3A = arith.constant 0 : index
    %swap3A_10 = arith.constant 0 : index
    %swap3A_11 = arith.constant 0 : index
    %swap3A_12 = vector.load %arg4[%swap3A, %swap3A_10, %swap3A_11] : memref<1024x1x1024xf32, #tpu.memory_space<vmem>>, vector<1024x1x1024xf32>
    tpu.vector_store %arg4[%swap3A, %swap3A_10, %swap3A_11], %broadcast_in_dim3A {strides = array<i32>} : memref<1024x1x1024xf32, #tpu.memory_space<vmem>>, vector<1024x1x1024xf32>,
    return
  }
  func.func @transform_0(%arg0: i32) -> (i32, i32) {
    %c0_i32 = arith.constant 0 : i32
    %c0_i32_0 = arith.constant 0 : i32
    return %arg0, %c0_i32 : i32, i32
  }
  func.func @transform_1(%arg0: i32) -> (i32, i32) {
    %c0_i32 = arith.constant 0 : i32
    %c0_i32_0 = arith.constant 0 : i32
    %c0_i32_1 = arith.constant 0 : i32
    return %c0_i32, %c0_i32_0 : i32, i32
  }
  func.func @transform_2(%arg0: i32) -> (i32, i32) {
    %c0_i32 = arith.constant 0 : i32
    %c0_i32_0 = arith.constant 0 : i32
    %c0_i32_1 = arith.constant 0 : i32
    return %c0_i32, %c0_i32_0 : i32, i32
  }
  func.func @transform_3(%arg0: i32) -> (i32, i32, i32) {
    %c0_i32 = arith.constant 0 : i32
    %c0_i32_0 = arith.constant 0 : i32
    %c0_i32_1 = arith.constant 0 : i32
    return %arg0, %c0_i32, %c0_i32_0 : i32, i32, i32
  }
}

</mosaic_0001>

<sc_bundles>
// kernel: kernel.4.cloned.1.call-start
scs
__scs_entry_jumppad:
0x0: {  	(pc) =	sbr.rel $0x88, $3  }
0x1: {  	(tag) =	ssettag $0x0;
	lr =	simm.s32 $0x1  }
0x2: {  	[smem:$0x3F9E] =	sst lr;
	_ =	strace $0xD0000000  }
0x3: {  	_ = 	snop  }
0x4: {  	_ = 	snop  }
0x5: {  	_ = 	snop  }
0x6: {  	_ = 	snop  }
0x7: {  	_ = 	snop  }
__scs_overlays_trampoline_lowered:
0x8: {  	[smem:$0x3FAD] =	sst s0  }
0x9: {  	[smem:$0x3FAE] =	sst s1  }
0xa: {  	[smem:$0x3FAF] =	sst s2  }
0xb: {  	[smem:$0x3FB0] =	sst s3  }
0xc: {  	[smem:$0x3FB1] =	sst s4  }
0xd: {  	[smem:$0x3FB2] =	sst s5  }
0xe: {  	[smem:$0x3FB3] =	sst s6  }
0xf: {  	[smem:$0x3FB4] =	sst s7  }
0x10: {  	[smem:$0x3FB5] =	sst s8  }
0x11: {  	[smem:$0x3FB6] =	sst s9;
	s0 =	simm.s32 @!p0 $0x0  }
0x12: {  	s1 =	sld [smem:$0x3F9C];
	s0 =	simm.s32 @p0 $0x1  }
0x13: {  	[smem:$0x3FB7] =	sst s0;
	s0 =	simm.s32 @!p1 $0x0  }
0x14: {  	s2 =	sld [smem:$0x3F9B];
	s0 =	simm.s32 @p1 $0x1  }
0x15: {  	[smem:$0x3FB8] =	sst s0;
	s0 =	simm.s32 @!p2 $0x0  }
0x16: {  	s3 =	sld [smem:$0x3FDB];
	s0 =	simm.s32 @p2 $0x1  }
0x17: {  	s4 =	simm.s32 $0x1BF5;
	[smem:$0x3FBA] =	sst s0  }
0x18: {  	s0 =	sld [smem:$0x3F9D];
	_ =	swait.ge [sflag:s4], $0x0  }
0x19: {  	s7 =	sld [smem:$0x3F9E]  }
0x1a: {  	s8 =	sadd.s32 $0xFFFFE003, lr  }
0x1b: {  	s9 =	sadd.s32 $0xFFFFFEF7, lr;
	s5 =	simm.s32 $0xFFFFFFFF;
	p2 =	slt.u32 s8, $0xFFFFF086  }
0x1c: {  	p1 =	slt.u32 s9, $0xF7A;
	s5 =	simm.s32 @!p2 $0x0  }
0x1d: {  	s5 =	simm.s32 @p1 $0x1;
	p0 =	seq.s32 s7, s2  }
0x1e: {  	s7 =	smul.u32 @!p0 $0xF7A, s2;
	p2 =	seq.s32 @!p0 s5, $0x0  }
0x1f: {  	s9 =	smul.u32 $0xF7A, s1;
	s8 =	simm.s32 @!p0 $0x1BF5;
	p2 =	por !p2, p0  }
0x20: {  	[sflag:s8] =	ssyncset.s32 @!p0 $0xFFFFF086;
	s6 =	sadd.s32 @!p0 s3, s7;
	s7 =	simm.s32 @!p0 $0x108  }
0x21: {  	s3 =	sadd.s32 s3, s9;
	s6 =	sadd.s32 @!p0 $0x88, s6;
	s7 =	simm.s32 @p2 $0x1082  }
0x22: {  	[simem:s7], [sflag:s8] =	dma.local @!p0 [hbm:s6], $0xF7A  }
0x23: {  	s9 =	sor.u32 $0xD0000000, s2;
	s6 =	simm.s32 $0x108;
	_ =	swait.ge @!p0 [sflag:s8], $0x0  }
0x24: {  	s3 =	sadd.s32 $0x88, s3;
	s6 =	simm.s32 @!p1 $0x1082;
	[sflag:s4] =	ssyncset.s32 $0xFFFFF086  }
0x25: {  	[simem:s6], [sflag:s4] =	dma.local [hbm:s3], $0xF7A  }
0x26: {  	[smem:$0x3F9E] =	sst s1;
	(tag) =	ssettag s2;
	_ =	strace s9  }
0x27: {  	s1 =	sld [smem:$0x3FAE]  }
0x28: {  	s2 =	sld [smem:$0x3FAF]  }
0x29: {  	s4 =	sld [smem:$0x3FB1]  }
0x2a: {  	p0 =	seq.s32 s5, $0x0;
	s5 =	sld [smem:$0x3FB2]  }
0x2b: {  	s6 =	sld [smem:$0x3FB3]  }
0x2c: {  	s7 =	sld [smem:$0x3FB4]  }
0x2d: {  	s3 =	simm.s32 $0x108;
	s8 =	sld [smem:$0x3FB5]  }
0x2e: {  	s3 =	simm.s32 @!p0 $0x1082;
	s9 =	sld [smem:$0x3FB6]  }
0x2f: {  	lr =	sadd.s32 s0, s3;
	s0 =	sld [smem:$0x3FAD]  }
0x30: {  	s3 =	sld [smem:$0x3FB0]  }
0x31: {  	[smem:$0x3FB9] =	sst s10  }
0x32: {  	s10 =	sld [smem:$0x3FB7];
	_ =	sdelay $0x3  }
0x33: {  	p0 =	seq.s32 s10, $0x1;
	s10 =	sld [smem:$0x3FB9];
	_ =	sdelay $0x3  }
0x34: {  	[smem:$0x3FB9] =	sst s10  }
0x35: {  	s10 =	sld [smem:$0x3FB8];
	_ =	sdelay $0x3  }
0x36: {  	p1 =	seq.s32 s10, $0x1;
	s10 =	sld [smem:$0x3FB9];
	_ =	sdelay $0x3  }
0x37: {  	[smem:$0x3FB9] =	sst s10  }
0x38: {  	s10 =	sld [smem:$0x3FBA]  }
0x39: {  	_ = 	snop;
	(pc) =	sbr.ind lr, $3  }
0x3a: {  	_ = 	snop  }
0x3b: {  	_ = 	snop  }
0x3c: {  	p2 =	seq.s32 s10, $0x1;
	s10 =	sld [smem:$0x3FB9]  }
0x3d: {  	_ =	shalt  }
0x3e: {  	_ =	shalt  }
0x3f: {  	_ =	shalt  }
0x40: {  	_ =	shalt  }
0x41: {  	_ =	shalt  }
0x42: {  	_ =	shalt  }
0x43: {  	_ =	shalt  }
0x44: {  	_ =	shalt  }
0x45: {  	_ =	shalt  }
0x46: {  	_ =	shalt  }
0x47: {  	_ =	shalt  }
0x48: {  	_ =	shalt  }
0x49: {  	_ =	shalt  }
0x4a: {  	_ =	shalt  }
0x4b: {  	_ =	shalt  }
0x4c: {  	_ =	shalt  }
0x4d: {  	_ =	shalt  }
0x4e: {  	_ =	shalt  }
0x4f: {  	_ =	shalt  }
0x50: {  	_ =	shalt  }
0x51: {  	_ =	shalt  }
0x52: {  	_ =	shalt  }
0x53: {  	_ =	shalt  }
0x54: {  	_ =	shalt  }
0x55: {  	_ =	shalt  }
0x56: {  	_ =	shalt  }
0x57: {  	_ =	shalt  }
0x58: {  	_ =	shalt  }
0x59: {  	_ =	shalt  }
0x5a: {  	_ =	shalt  }
0x5b: {  	_ =	shalt  }
0x5c: {  	_ =	shalt  }
0x5d: {  	_ =	shalt  }
0x5e: {  	_ =	shalt  }
0x5f: {  	_ =	shalt  }
0x60: {  	_ =	shalt  }
0x61: {  	_ =	shalt  }
0x62: {  	_ =	shalt  }
0x63: {  	_ =	shalt  }
0x64: {  	_ =	shalt  }
0x65: {  	_ =	shalt  }
0x66: {  	_ =	shalt  }
0x67: {  	_ =	shalt  }
0x68: {  	_ =	shalt  }
0x69: {  	_ =	shalt  }
0x6a: {  	_ =	shalt  }
0x6b: {  	_ =	shalt  }
0x6c: {  	_ =	shalt  }
0x6d: {  	_ =	shalt  }
0x6e: {  	_ =	shalt  }
0x6f: {  	_ =	shalt  }
0x70: {  	_ =	shalt  }
0x71: {  	_ =	shalt  }
0x72: {  	_ =	shalt  }
0x73: {  	_ =	shalt  }
0x74: {  	_ =	shalt  }
0x75: {  	_ =	shalt  }
0x76: {  	_ =	shalt  }
0x77: {  	_ =	shalt  }
0x78: {  	_ =	shalt  }
0x79: {  	_ =	shalt  }
0x7a: {  	_ =	shalt  }
0x7b: {  	_ =	shalt  }
0x7c: {  	_ =	shalt  }
0x7d: {  	_ =	shalt  }
0x7e: {  	_ =	shalt  }
0x7f: {  	_ =	shalt  }
0x80: {  	_ =	shalt  }
0x81: {  	_ =	shalt  }
0x82: {  	_ =	shalt  }
0x83: {  	_ =	shalt  }
0x84: {  	_ =	shalt  }
0x85: {  	_ =	shalt  }
0x86: {  	_ =	shalt  }
0x87: {  	_ =	shalt  }
.Lfunc_end0:
.L_simem_size_0:
called_computation_lowered:
.L_overlay_start_0:
0x88: {  	s2 =	sld [smem:$0x3FD9]  }
0x89: {  	s3 =	sld [smem:$0x3FFE];
	_ =	sdelay $0x1  }
0x8a: {  	s1 =	srdreg.scid  }
0x8b: {  	s0 =	sand.u32 $0x1, s1  }
0x8c: {  	s18 =	sshll.u32 s0, $0xA;
	s2 =	sadd.s32 s3, s2  }
0x8d: {  	s2 =	sadd.s32 s2, s18  }
0x8e: {  	[smem:$0x3FC5] =	sst s2  }
0x8f: {  	_ = 	snop  }
0x90: {  	s2 =	sld [smem:$0x3FC9]  }
0x91: {  	s19 =	sld [smem:$0x3FD0];
	(tm) =	ssettm $0x1  }
0x92: {  	s4 =	sld [smem:$0x3FFB];
	_ =	sdelay $0x3  }
0x93: {  	_ =	strace s4  }
0x94: {  	s4 =	sld [smem:$0x3FFC];
	_ =	sdelay $0x3  }
0x95: {  	_ =	strace s4  }
0x96: {  	s4 =	sld [smem:$0x3FFD];
	_ =	sdelay $0x3  }
0x97: {  	_ =	strace s4  }
0x98: {  	_ =	strace $0x8FFFFFFF  }
0x99: {  	s20 =	sld [smem:$0x3FDB];
	_ =	sdelay $0x1  }
0x9a: {  	s5 =	simm.s32 $_scs_section_size  }
0x9b: {  	s6 =	simm.s32 $_size__tile_overlayer_lowered;
	s7 =	simm.s32 $_tile_overlayer_lowered  }
0x9c: {  	s23 =	simm.s32 $0x1BFF;
	s22 =	sshll.u32 s7, $0x1;
	s4 =	sadd.s32 s5, s20  }
0x9d: {  	s8 =	simm.s32 $0x0;
	s21 =	sshll.u32 s6, $0x1;
	s6 =	sadd.s32 s22, s4  }
0x9e: {  	[timem:s8], [sflag:s23] =	dma.local [hbm:s6], s21  }
0x9f: {  	_ =	swait.ge [sflag:s23], s21  }
0xa0: {  	s5 =	ssub.s32 $0x0, s21;
	[sflag:s23] =	ssyncset.done $0x0  }
0xa1: {  	[sflag:s23] =	ssyncadd.s32 s5;
	_ =	sdelay $0x1  }
0xa2: {  	s24 =	simm.s32 $0x1B8B  }
0xa3: {  	_ =	swait.ge [sflag:s24], $0x1  }
0xa4: {  	[sflag:s24] =	ssyncset.done $0x0  }
0xa5: {  	s25 =	simm.s32 $0x1B8E;
	[sflag:s24] =	ssyncadd.s32 $0xFFFFFFFF  }
0xa6: {  	s26 =	simm.s32 $execute0_lowered;
	[smem:$0x3FD2] =	sst s25  }
0xa7: {  	s5 =	sshll.u32 s26, $0x1;
	_ =	strace $0x80000046;
	[dreg:$0x1] =	wrdreg $0xFFFFFFFF  }
0xa8: {  	s28 =	simm.s32 $_size_execute0_lowered;
	s4 =	sadd.s32 s4, s5;
	[dreg:$0x0] =	wrdreg $0x0  }
0xa9: {  	s5 =	sshll.u32 s28, $0x1;
	[dreg:$0x2] =	wrdreg s4  }
0xaa: {  	[dreg:$0x3] =	wrdreg s5  }
0xab: {  	[dreg:$0x4] =	wrdreg $0xC0  }
0xac: {  	_ =	task [dreg:s8], $0x5FFFF  }
0xad: {  	[dreg:$0x1] =	wrdreg $0xFFFFFFFF  }
0xae: {  	[dreg:$0x0] =	wrdreg $0x60  }
0xaf: {  	[dreg:$0x2] =	wrdreg s2  }
0xb0: {  	[dreg:$0x3] =	wrdreg s19  }
0xb1: {  	[dreg:$0x4] =	wrdreg $0x9  }
0xb2: {  	_ =	task.clear_ibuf [dreg:s8], $0x5FFFF;
	_ =	strace $0x90000046  }
0xb3: {  	s29 =	simm.s32 $0x9;
	_ =	strace $0x80000048  }
0xb4: {  	_ =	swait.ge [sflag:s29], $0x1  }
0xb5: {  	[sflag:s29] =	ssyncadd.s32 $0xFFFFFFFF  }
0xb6: {  	_ =	strace $0x90000048  }
0xb7: {  	_ =	sfence  }
0xb8: {  	s30 =	sld [smem:$0x0];
	_ =	sdelay $0x2  }
0xb9: {  	s31 =	sshll.u32 s1, $0xD;
	s1 =	sshrl.u32 s1, $0x2  }
0xba: {  	s3 =	sand.u32 $0x4000, s31;
	s1 =	sadd.s32 s1, s30  }
0xbb: {  	s0 =	sor.u32 s3, s0;
	s1 =	sshll.u32 s1, $0x11  }
0xbc: {  	s0 =	sor.u32 s1, s0  }
0xbd: {  	s0 =	sadd.s32 $0x8F2B, s0  }
0xbe: {  	[sflag:s0] =	ssyncadd.remote.s32 $0x1  }
0xbf: {  	_ =	sfence.sel $0xFFFF  }
0xc0: {  	[dreg:$0x0] =	wrdreg $0xFFFFFFFF;
	(pc) =	sbr.abs _section_cstart, $3  }
0xc1: {  	[dreg:$0x1] =	wrdreg $0xFFFFFFFF  }
0xc2: {  	_ =	task.clear_ibuf [dreg:s8], $0x2FFFF;
	_ =	strace $0x9FFFFFFF  }
0xc3: {  	(tm) =	ssettm $0x7FFFFFFF  }
tec
execute0_lowered:
.L_overlay_start_1:
0x0: {  	(tag) =	ssettag $0x1  }
0x1: {  	v0 =	vimm.f32 $0.0e+00  }
0x2: {  	v1 =	vimm.s32 $0x1380;
	vm14 =	vcmask $0x300;
	v2 =	vimm.s32 $0x3380  }
0x3: {  	vm13 =	vcmask $0x704;
	vm12 =	vcmask $0xB08;
	vm11 =	vcmask $0xF0C  }
0x4: {  	vm10 =	vcmask $0x1310;
	vm9 =	vcmask $0x1714;
	vm8 =	vcmask $0x1B18  }
0x5: {  	vm7 =	vcmask $0x1F1C;
	vm6 =	vcmask $0x2320;
	vm5 =	vcmask $0x2724  }
0x6: {  	vm4 =	vcmask $0x2B28;
	vm3 =	vcmask $0x2F2C;
	vm2 =	vcmask $0x3330  }
0x7: {  	vm0 =	vcmask $0x3734;
	vm1 =	vcmask $0x3B38;
	v4 =	vimm.s32 $0x5380  }
0x8: {  	v5 =	vimm.s32 $0x7380;
	v6 =	vimm.s32 $0x9380;
	v7 =	vimm.s32 $0xB380  }
0x9: {  	v8 =	vimm.s32 $0xD380;
	v9 =	vimm.s32 $0xF380;
	v1 =	vsel vm14, $0x0, v1  }
0xa: {  	v2 =	vsel vm14, $0x2000, v2;
	v4 =	vsel vm14, $0x4000, v4;
	v5 =	vsel vm14, $0x6000, v5  }
0xb: {  	v6 =	vsel vm14, $0x8000, v6;
	v7 =	vsel vm14, $0xA000, v7;
	v8 =	vsel vm14, $0xC000, v8  }
0xc: {  	v9 =	vsel vm14, $0xE000, v9;
	v1 =	vsel vm13, $0x80, v1;
	v2 =	vsel vm13, $0x2080, v2  }
0xd: {  	v4 =	vsel vm13, $0x4080, v4;
	v5 =	vsel vm13, $0x6080, v5;
	v6 =	vsel vm13, $0x8080, v6  }
0xe: {  	v7 =	vsel vm13, $0xA080, v7;
	v8 =	vsel vm13, $0xC080, v8;
	v9 =	vsel vm13, $0xE080, v9  }
0xf: {  	v1 =	vsel vm12, $0x100, v1;
	v2 =	vsel vm12, $0x2100, v2;
	v4 =	vsel vm12, $0x4100, v4  }
0x10: {  	v5 =	vsel vm12, $0x6100, v5;
	v6 =	vsel vm12, $0x8100, v6;
	v7 =	vsel vm12, $0xA100, v7  }
0x11: {  	v8 =	vsel vm12, $0xC100, v8;
	v9 =	vsel vm12, $0xE100, v9;
	v1 =	vsel vm11, $0x180, v1  }
0x12: {  	v2 =	vsel vm11, $0x2180, v2;
	v4 =	vsel vm11, $0x4180, v4;
	v5 =	vsel vm11, $0x6180, v5  }
0x13: {  	v6 =	vsel vm11, $0x8180, v6;
	v7 =	vsel vm11, $0xA180, v7;
	v8 =	vsel vm11, $0xC180, v8  }
0x14: {  	v9 =	vsel vm11, $0xE180, v9;
	v1 =	vsel vm10, $0x200, v1;
	v2 =	vsel vm10, $0x2200, v2  }
0x15: {  	v4 =	vsel vm10, $0x4200, v4;
	v5 =	vsel vm10, $0x6200, v5;
	v6 =	vsel vm10, $0x8200, v6  }
0x16: {  	v7 =	vsel vm10, $0xA200, v7;
	v8 =	vsel vm10, $0xC200, v8;
	v9 =	vsel vm10, $0xE200, v9  }
0x17: {  	v1 =	vsel vm9, $0x280, v1;
	v2 =	vsel vm9, $0x2280, v2;
	v4 =	vsel vm9, $0x4280, v4  }
0x18: {  	v5 =	vsel vm9, $0x6280, v5;
	v6 =	vsel vm9, $0x8280, v6;
	v7 =	vsel vm9, $0xA280, v7  }
0x19: {  	v8 =	vsel vm9, $0xC280, v8;
	v9 =	vsel vm9, $0xE280, v9;
	v1 =	vsel vm8, $0x300, v1  }
0x1a: {  	v2 =	vsel vm8, $0x2300, v2;
	v4 =	vsel vm8, $0x4300, v4;
	v5 =	vsel vm8, $0x6300, v5  }
0x1b: {  	v6 =	vsel vm8, $0x8300, v6;
	v7 =	vsel vm8, $0xA300, v7;
	v8 =	vsel vm8, $0xC300, v8  }
0x1c: {  	v9 =	vsel vm8, $0xE300, v9;
	v1 =	vsel vm7, $0x380, v1;
	v2 =	vsel vm7, $0x2380, v2  }
0x1d: {  	v4 =	vsel vm7, $0x4380, v4;
	v5 =	vsel vm7, $0x6380, v5;
	v6 =	vsel vm7, $0x8380, v6  }
0x1e: {  	v7 =	vsel vm7, $0xA380, v7;
	v8 =	vsel vm7, $0xC380, v8;
	v9 =	vsel vm7, $0xE380, v9  }
0x1f: {  	v1 =	vsel vm6, $0x1000, v1;
	v2 =	vsel vm6, $0x3000, v2;
	v4 =	vsel vm6, $0x5000, v4  }
0x20: {  	v5 =	vsel vm6, $0x7000, v5;
	v6 =	vsel vm6, $0x9000, v6;
	v7 =	vsel vm6, $0xB000, v7  }
0x21: {  	v8 =	vsel vm6, $0xD000, v8;
	v9 =	vsel vm6, $0xF000, v9;
	v1 =	vsel vm5, $0x1080, v1  }
0x22: {  	v2 =	vsel vm5, $0x3080, v2;
	v4 =	vsel vm5, $0x5080, v4;
	v5 =	vsel vm5, $0x7080, v5  }
0x23: {  	v6 =	vsel vm5, $0x9080, v6;
	v7 =	vsel vm5, $0xB080, v7;
	v8 =	vsel vm5, $0xD080, v8  }
0x24: {  	s3 =	rddreg [dreg:$0x0];
	v9 =	vsel vm5, $0xF080, v9;
	v1 =	vsel vm4, $0x1100, v1;
	v2 =	vsel vm4, $0x3100, v2  }
0x25: {  	s4 =	rddreg [dreg:$0x1];
	v4 =	vsel vm4, $0x5100, v4;
	v5 =	vsel vm4, $0x7100, v5;
	v6 =	vsel vm4, $0x9100, v6  }
0x26: {  	s2 =	srdreg.scid;
	s1 =	stileid.u32;
	s13 =	simm.s32 $0x400;
	v7 =	vsel vm4, $0xB100, v7;
	v8 =	vsel vm4, $0xD100, v8;
	v9 =	vsel vm4, $0xF100, v9  }
0x27: {  	s14 =	simm.s32 $0x8000;
	s15 =	simm.s32 $0x1;
	s16 =	simm.s32 $0x6400;
	v1 =	vsel vm3, $0x1180, v1;
	v2 =	vsel vm3, $0x3180, v2;
	v4 =	vsel vm3, $0x5180, v4  }
0x28: {  	s17 =	simm.s32 $0x8400;
	s18 =	simm.s32 $0xA400;
	s19 =	simm.s32 $0xC400;
	v5 =	vsel vm3, $0x7180, v5;
	v6 =	vsel vm3, $0x9180, v6;
	v7 =	vsel vm3, $0xB180, v7  }
0x29: {  	s20 =	simm.s32 $0xE400;
	s21 =	simm.s32 $0x10400;
	s22 =	simm.s32 $0x12400;
	v8 =	vsel vm3, $0xD180, v8;
	v9 =	vsel vm3, $0xF180, v9;
	v1 =	vsel vm2, $0x1200, v1  }
0x2a: {  	s23 =	simm.s32 $0x14400;
	s24 =	simm.s32 $0x2;
	s5 =	sand.u32 $0x1, s2;
	v2 =	vsel vm2, $0x3200, v2;
	v4 =	vsel vm2, $0x5200, v4;
	v5 =	vsel vm2, $0x7200, v5  }
0x2b: {  	s25 =	simm.s32 $0x0;
	s6 =	sshll.u32 s1, $0x8;
	s7 =	sshll.u32 s5, $0x7;
	v6 =	vsel vm2, $0x9200, v6;
	v7 =	vsel vm2, $0xB200, v7;
	v8 =	vsel vm2, $0xD200, v8  }
0x2c: {  	s2 =	simm.s32 $0x0;
	s5 =	ssub.s32 $0x2, s5;
	s6 =	sor.u32 s7, s6;
	v9 =	vsel vm2, $0xF200, v9;
	v1 =	vsel vm0, $0x1280, v1;
	v3 =	vsel vm0, $0x3280, v2  }
0x2d: {  	[smem:$0x7FF] =	sst s2;
	s31 =	sshrl.u32 s5, $0x1;
	s8 =	sshll.u32 s6, $0x6;
	v2 =	vimm.f32 $1.000000000e+00;
	v4 =	vsel vm0, $0x5280, v4;
	v5 =	vsel vm0, $0x7280, v5  }
0x2e: {  	_ =	strace $0x80000047;
	s12 =	ssub.s32 s5, s31;
	s4 =	sadd.s32 s4, s8;
	v6 =	vsel vm0, $0x9280, v6;
	v7 =	vsel vm0, $0xB280, v7;
	v8 =	vsel vm0, $0xD280, v8  }
0x2f: {  	s3 =	sadd.s32 s3, s6;
	s12 =	smax.u32 s12, $0x1;
	s5 =	sadd.s32 $0x400, s4;
	v9 =	vsel vm0, $0xF280, v9;
	v1 =	vsel vm1, $0x1300, v1;
	v3 =	vsel vm1, $0x3300, v3  }
0x30: {  	s6 =	sadd.s32 $0x800, s4;
	s7 =	sadd.s32 $0xC00, s4;
	s8 =	sadd.s32 $0x1000, s4;
	v4 =	vsel vm1, $0x5300, v4;
	v5 =	vsel vm1, $0x7300, v5;
	v6 =	vsel vm1, $0x9300, v6  }
0x31: {  	s9 =	sadd.s32 $0x1400, s4;
	s10 =	sadd.s32 $0x1800, s4;
	s11 =	sadd.s32 $0x1C00, s4;
	v7 =	vsel vm1, $0xB300, v7;
	v8 =	vsel vm1, $0xD300, v8;
	v9 =	vsel vm1, $0xF300, v9  }
.LBB2_1:
0x32: {  	[tilespmem:s2], [sflag:$0x1] =	stream.strided.gather [hbm4b:s3+s13], $0x6400, s14, s13, $0x38;
	[tilespmem:$0x16400] =	vst v63  }
0x33: {  	s26 =	simm.s32 $0x0  }
0x34: {  	s28 =	sand.u32 $0x800, s2;
	s29 =	simm.s32 $0x0;
	s26 =	sand.u32 $0xF000, s26  }
0x35: {  	s29 =	sand.u32 $0x380, s29;
	s26 =	sor.u32 s28, s26  }
0x36: {  	s26 =	sor.u32 s29, s26  }
0x37: {  	[tilespmem:s26+$0x6870] =	vst v0  }
0x38: {  	[tilespmem:s26+$0x6400] =	vst v0  }
0x39: {  	[tilespmem:s26+$0x6410] =	vst v0  }
0x3a: {  	[tilespmem:s26+$0x6420] =	vst v0  }
0x3b: {  	[tilespmem:s26+$0x6430] =	vst v0  }
0x3c: {  	[tilespmem:s26+$0x6440] =	vst v0  }
0x3d: {  	[tilespmem:s26+$0x6450] =	vst v0  }
0x3e: {  	[tilespmem:s26+$0x6460] =	vst v0  }
0x3f: {  	[tilespmem:s26+$0x6470] =	vst v0  }
0x40: {  	[tilespmem:s26+$0x6800] =	vst v0  }
0x41: {  	s28 =	simm.s32 $0x0;
	s29 =	simm.s32 $0x0;
	[tilespmem:s26+$0x6810] =	vst v0  }
.LBB2_2:
0x42: {  	s28 =	sadd.s32 $0x10, s28;
	[tilespmem:s26+$0x6820] =	vst v0  }
0x43: {  	s29 =	sadd.s32 $0x800, s29;
	s30 =	sshll.u32 s28, $0x4;
	p0 =	slt.u32 s28, $0xFF0;
	[tilespmem:s26+$0x6830] =	vst v0  }
0x44: {  	s31 =	sand.u32 $0x800, s29;
	s0 =	sshll.u32 s28, $0x2;
	s30 =	sand.u32 $0xF000, s30;
	[tilespmem:s26+$0x6840] =	vst v0  }
0x45: {  	s0 =	sand.u32 $0x380, s0;
	s30 =	sor.u32 s31, s30;
	[tilespmem:s26+$0x6850] =	vst v0  }
0x46: {  	[tilespmem:s26+$0x6860] =	vst v0;
	s26 =	sor.u32 s0, s30  }
0x47: {  	[tilespmem:s26+$0x6870] =	vst v0  }
0x48: {  	[tilespmem:s26+$0x6400] =	vst v0  }
0x49: {  	[tilespmem:s26+$0x6410] =	vst v0  }
0x4a: {  	[tilespmem:s26+$0x6420] =	vst v0  }
0x4b: {  	[tilespmem:s26+$0x6430] =	vst v0  }
0x4c: {  	[tilespmem:s26+$0x6440] =	vst v0  }
.Ltmp0:
0x4d: {  	[tilespmem:s26+$0x6450] =	vst v0;
	(pc) =	sbr.rel @p0 .LBB2_2-.Ltmp0, $4  }
0x4e: {  	[tilespmem:s26+$0x6460] =	vst v0  }
0x4f: {  	[tilespmem:s26+$0x6470] =	vst v0  }
0x50: {  	[tilespmem:s26+$0x6800] =	vst v0  }
0x51: {  	[tilespmem:s26+$0x6810] =	vst v0  }
0x52: {  	[tilespmem:s26+$0x6820] =	vst v0  }
0x53: {  	[tilespmem:s26+$0x6830] =	vst v0  }
0x54: {  	[tilespmem:s26+$0x6840] =	vst v0  }
0x55: {  	[tilespmem:s26+$0x6850] =	vst v0  }
0x56: {  	[tilespmem:s26+$0x6860] =	vst v0  }
0x57: {  	_ =	swait.ge [sflag:s15], $0x6400  }
0x58: {  	[sflag:s15] =	ssyncset.done $0x0  }
0x59: {  	s0 =	simm.s32 $0x100;
	[sflag:s15] =	ssyncadd.s32 $0xFFFF9C00  }
0x5a: {  	v10 =	vld [tilespmem:s0+$0x80]  }
0x5b: {  	v11 =	vld [tilespmem:s0+$0xFFFFFF80]  }
0x5c: {  	v12 =	vld [tilespmem:s0+$0x0]  }
0x5d: {  	v13 =	vld [tilespmem:s0+$0xFFFFFF00];
	_ =	sdelay $0x1  }
0x5e: {  	s31 =	simm.s32 $0x300  }
0x5f: {  	v17 =	vld [tilespmem:s31+$0x80]  }
0x60: {  	v14 =	vshll.u32 v10, $0x3;
	v15 =	vshll.u32 v11, $0x3;
	v10 =	vand.u32 $0x7F, v10  }
0x61: {  	v16 =	vshll.u32 v12, $0x3;
	v18 =	vshll.u32 v13, $0x3;
	v14 =	vand.u32 $0xFFFFFC00, v14  }
0x62: {  	v11 =	vand.u32 $0x7F, v11;
	v12 =	vand.u32 $0x7F, v12;
	v14 =	vor.u32 v10, v14;
	v10 =	vld [tilespmem:s31+$0xFFFFFF80]  }
0x63: {  	v15 =	vand.u32 $0xFFFFFC00, v15;
	v19 =	vadd.s32 v1, v14;
	v14 =	vand.u32 $0x7F, v13;
	v13 =	vld [tilespmem:s31+$0x0]  }
0x64: {  	v20 =	vand.u32 $0x7F, v17;
	v16 =	vand.u32 $0xFFFFFC00, v16;
	v11 =	vor.u32 v11, v15;
	v15 =	vld [tilespmem:s31+$0xFFFFFF00]  }
0x65: {  	v18 =	vand.u32 $0xFFFFFC00, v18;
	v12 =	vor.u32 v12, v16;
	v16 =	vshll.u32 v17, $0x3  }
0x66: {  	v11 =	vadd.s32 v1, v11;
	v12 =	vadd.s32 v1, v12;
	v14 =	vor.u32 v14, v18  }
0x67: {  	v21 =	vand.u32 $0xFFFFFC00, v16;
	v14 =	vadd.s32 v1, v14;
	v18 =	vshll.u32 v10, $0x3  }
0x68: {  	s26 =	simm.s32 $0x4;
	s28 =	simm.s32 $0x500;
	[tilespmem:v19+s16+$0x0] =	vst.idx.add.f32.msk $0xffff, v2;
	v16 =	vand.u32 $0xFFFFFC00, v18;
	v17 =	vshll.u32 v13, $0x3;
	v18 =	vor.u32 v20, v21  }
.LBB2_4:
0x69: {  	v19 =	vld [tilespmem:s28+$0x80];
	s26 =	sadd.s32 $0x4, s26;
	v20 =	vshll.u32 v15, $0x3;
	v17 =	vand.u32 $0xFFFFFC00, v17;
	v18 =	vadd.s32 v1, v18  }
0x6a: {  	v15 =	vand.u32 $0x7F, v15;
	v21 =	vand.u32 $0x7F, v10;
	p0 =	slt.u32 s26, $0xC4;
	v20 =	vand.u32 $0xFFFFFC00, v20;
	v10 =	vld [tilespmem:s28+$0xFFFFFF80]  }
0x6b: {  	v16 =	vor.u32 v21, v16;
	v21 =	vand.u32 $0x7F, v13;
	v20 =	vor.u32 v15, v20;
	v13 =	vld [tilespmem:s28+$0x0]  }
.Ltmp1:
0x6c: {  	v16 =	vadd.s32 v1, v16;
	v17 =	vor.u32 v21, v17;
	v15 =	vld [tilespmem:s28+$0xFFFFFF00];
	v20 =	vadd.s32 v1, v20;
	(pc) =	sbr.rel @p0 .LBB2_4-.Ltmp1, $4  }
0x6d: {  	v21 =	vadd.s32 v1, v17;
	[tilespmem:v14+s16+$0x0] =	vst.idx.add.f32.msk $0xffff, v2;
	v14 =	vmov v20  }
0x6e: {  	v17 =	vshll.u32 v19, $0x3;
	[tilespmem:v18+s16+$0x0] =	vst.idx.add.f32.msk $0xffff, v2  }
0x6f: {  	v19 =	vand.u32 $0x7F, v19;
	v18 =	vshll.u32 v10, $0x3;
	v20 =	vand.u32 $0xFFFFFC00, v17;
	[tilespmem:v11+s16+$0x0] =	vst.idx.add.f32.msk $0xffff, v2;
	v11 =	vmovc v16  }
0x70: {  	s28 =	sadd.s32 $0x200, s28;
	v16 =	vand.u32 $0xFFFFFC00, v18;
	v17 =	vshll.u32 v13, $0x3;
	v18 =	vor.u32 v19, v20;
	[tilespmem:v12+s16+$0x0] =	vst.idx.add.f32.msk $0xffff, v2;
	v12 =	vmovc v21  }
0x71: {  	v19 =	vshll.u32 v15, $0x3  }
0x72: {  	v18 =	vadd.s32 v1, v18;
	v15 =	vand.u32 $0x7F, v15;
	v10 =	vand.u32 $0x7F, v10  }
0x73: {  	v17 =	vand.u32 $0xFFFFFC00, v17;
	v13 =	vand.u32 $0x7F, v13;
	v10 =	vor.u32 v10, v16  }
0x74: {  	v19 =	vand.u32 $0xFFFFFC00, v19;
	v13 =	vor.u32 v13, v17;
	v10 =	vadd.s32 v1, v10  }
0x75: {  	[tilespmem:v14+s16+$0x0] =	vst.idx.add.f32.msk $0xffff, v2;
	v15 =	vor.u32 v15, v19;
	v13 =	vadd.s32 v1, v13  }
0x76: {  	[tilespmem:v11+s16+$0x0] =	vst.idx.add.f32.msk $0xffff, v2;
	v15 =	vadd.s32 v1, v15  }
0x77: {  	[tilespmem:v12+s16+$0x0] =	vst.idx.add.f32.msk $0xffff, v2  }
0x78: {  	[tilespmem:v18+s16+$0x0] =	vst.idx.add.f32.msk $0xffff, v2  }
0x79: {  	[tilespmem:v10+s16+$0x0] =	vst.idx.add.f32.msk $0xffff, v2  }
0x7a: {  	[tilespmem:v13+s16+$0x0] =	vst.idx.add.f32.msk $0xffff, v2  }
0x7b: {  	s0 =	simm.s32 $0x110;
	[tilespmem:v15+s16+$0x0] =	vst.idx.add.f32.msk $0xffff, v2  }
0x7c: {  	[hbm4b:s4+s2] =	stream.linear.scatter [tilespmem:s16], [sflag:$0x2], $0x2000, $0x38;
	[tilespmem:$0x16400] =	vst v63  }
0x7d: {  	v10 =	vld [tilespmem:s0+$0x80]  }
0x7e: {  	v11 =	vld [tilespmem:s0+$0xFFFFFF80]  }
0x7f: {  	v12 =	vld [tilespmem:s0+$0x0]  }
0x80: {  	v13 =	vld [tilespmem:s0+$0xFFFFFF00];
	_ =	sdelay $0x1  }
0x81: {  	s31 =	simm.s32 $0x310  }
0x82: {  	v17 =	vld [tilespmem:s31+$0x80]  }
0x83: {  	v14 =	vshll.u32 v10, $0x3;
	v15 =	vshll.u32 v11, $0x3;
	v10 =	vand.u32 $0x7F, v10  }
0x84: {  	v16 =	vshll.u32 v12, $0x3;
	v18 =	vshll.u32 v13, $0x3;
	v14 =	vand.u32 $0xFFFFFC00, v14  }
0x85: {  	v11 =	vand.u32 $0x7F, v11;
	v12 =	vand.u32 $0x7F, v12;
	v14 =	vor.u32 v10, v14;
	v10 =	vld [tilespmem:s31+$0xFFFFFF80]  }
0x86: {  	v15 =	vand.u32 $0xFFFFFC00, v15;
	v19 =	vadd.s32 v3, v14;
	v14 =	vand.u32 $0x7F, v13;
	v13 =	vld [tilespmem:s31+$0x0]  }
0x87: {  	v20 =	vand.u32 $0x7F, v17;
	v16 =	vand.u32 $0xFFFFFC00, v16;
	v11 =	vor.u32 v11, v15;
	v15 =	vld [tilespmem:s31+$0xFFFFFF00]  }
0x88: {  	v18 =	vand.u32 $0xFFFFFC00, v18;
	v12 =	vor.u32 v12, v16;
	v16 =	vshll.u32 v17, $0x3  }
0x89: {  	v11 =	vadd.s32 v3, v11;
	v12 =	vadd.s32 v3, v12;
	v14 =	vor.u32 v14, v18  }
0x8a: {  	v21 =	vand.u32 $0xFFFFFC00, v16;
	v14 =	vadd.s32 v3, v14;
	v18 =	vshll.u32 v10, $0x3  }
0x8b: {  	s26 =	simm.s32 $0x4;
	s28 =	simm.s32 $0x510;
	[tilespmem:v19+s16+$0x0] =	vst.idx.add.f32.msk $0xffff, v2;
	v16 =	vand.u32 $0xFFFFFC00, v18;
	v17 =	vshll.u32 v13, $0x3;
	v18 =	vor.u32 v20, v21  }
.LBB2_6:
0x8c: {  	v19 =	vld [tilespmem:s28+$0x80];
	s26 =	sadd.s32 $0x4, s26;
	v20 =	vshll.u32 v15, $0x3;
	v17 =	vand.u32 $0xFFFFFC00, v17;
	v18 =	vadd.s32 v3, v18  }
0x8d: {  	v15 =	vand.u32 $0x7F, v15;
	v21 =	vand.u32 $0x7F, v10;
	p0 =	slt.u32 s26, $0xC4;
	v20 =	vand.u32 $0xFFFFFC00, v20;
	v10 =	vld [tilespmem:s28+$0xFFFFFF80]  }
0x8e: {  	v16 =	vor.u32 v21, v16;
	v21 =	vand.u32 $0x7F, v13;
	v20 =	vor.u32 v15, v20;
	v13 =	vld [tilespmem:s28+$0x0]  }
.Ltmp2:
0x8f: {  	v16 =	vadd.s32 v3, v16;
	v17 =	vor.u32 v21, v17;
	v15 =	vld [tilespmem:s28+$0xFFFFFF00];
	v20 =	vadd.s32 v3, v20;
	(pc) =	sbr.rel @p0 .LBB2_6-.Ltmp2, $4  }
0x90: {  	v21 =	vadd.s32 v3, v17;
	[tilespmem:v14+s16+$0x0] =	vst.idx.add.f32.msk $0xffff, v2;
	v14 =	vmov v20  }
0x91: {  	v17 =	vshll.u32 v19, $0x3;
	[tilespmem:v18+s16+$0x0] =	vst.idx.add.f32.msk $0xffff, v2  }
0x92: {  	v19 =	vand.u32 $0x7F, v19;
	v18 =	vshll.u32 v10, $0x3;
	v20 =	vand.u32 $0xFFFFFC00, v17;
	[tilespmem:v11+s16+$0x0] =	vst.idx.add.f32.msk $0xffff, v2;
	v11 =	vmovc v16  }
0x93: {  	s28 =	sadd.s32 $0x200, s28;
	v16 =	vand.u32 $0xFFFFFC00, v18;
	v17 =	vshll.u32 v13, $0x3;
	v18 =	vor.u32 v19, v20;
	[tilespmem:v12+s16+$0x0] =	vst.idx.add.f32.msk $0xffff, v2;
	v12 =	vmovc v21  }
0x94: {  	v19 =	vshll.u32 v15, $0x3  }
0x95: {  	v18 =	vadd.s32 v3, v18;
	v15 =	vand.u32 $0x7F, v15;
	v10 =	vand.u32 $0x7F, v10  }
0x96: {  	v17 =	vand.u32 $0xFFFFFC00, v17;
	v13 =	vand.u32 $0x7F, v13;
	v10 =	vor.u32 v10, v16  }
0x97: {  	v19 =	vand.u32 $0xFFFFFC00, v19;
	v13 =	vor.u32 v13, v17;
	v10 =	vadd.s32 v3, v10  }
0x98: {  	[tilespmem:v14+s16+$0x0] =	vst.idx.add.f32.msk $0xffff, v2;
	v15 =	vor.u32 v15, v19;
	v13 =	vadd.s32 v3, v13  }
0x99: {  	[tilespmem:v11+s16+$0x0] =	vst.idx.add.f32.msk $0xffff, v2;
	v15 =	vadd.s32 v3, v15  }
0x9a: {  	[tilespmem:v12+s16+$0x0] =	vst.idx.add.f32.msk $0xffff, v2  }
0x9b: {  	[tilespmem:v18+s16+$0x0] =	vst.idx.add.f32.msk $0xffff, v2  }
0x9c: {  	[tilespmem:v10+s16+$0x0] =	vst.idx.add.f32.msk $0xffff, v2  }
0x9d: {  	[tilespmem:v13+s16+$0x0] =	vst.idx.add.f32.msk $0xffff, v2  }
0x9e: {  	s0 =	simm.s32 $0x120;
	[tilespmem:v15+s16+$0x0] =	vst.idx.add.f32.msk $0xffff, v2  }
0x9f: {  	[hbm4b:s5+s2] =	stream.linear.scatter [tilespmem:s17], [sflag:$0x2], $0x2000, $0x38;
	[tilespmem:$0x16400] =	vst v63  }
0xa0: {  	v10 =	vld [tilespmem:s0+$0x80]  }
0xa1: {  	v11 =	vld [tilespmem:s0+$0xFFFFFF80]  }
0xa2: {  	v12 =	vld [tilespmem:s0+$0x0]  }
0xa3: {  	v13 =	vld [tilespmem:s0+$0xFFFFFF00];
	_ =	sdelay $0x1  }
0xa4: {  	s31 =	simm.s32 $0x320  }
0xa5: {  	v17 =	vld [tilespmem:s31+$0x80]  }
0xa6: {  	v14 =	vshll.u32 v10, $0x3;
	v15 =	vshll.u32 v11, $0x3;
	v10 =	vand.u32 $0x7F, v10  }
0xa7: {  	v16 =	vshll.u32 v12, $0x3;
	v18 =	vshll.u32 v13, $0x3;
	v14 =	vand.u32 $0xFFFFFC00, v14  }
0xa8: {  	v11 =	vand.u32 $0x7F, v11;
	v12 =	vand.u32 $0x7F, v12;
	v14 =	vor.u32 v10, v14;
	v10 =	vld [tilespmem:s31+$0xFFFFFF80]  }
0xa9: {  	v15 =	vand.u32 $0xFFFFFC00, v15;
	v19 =	vadd.s32 v4, v14;
	v14 =	vand.u32 $0x7F, v13;
	v13 =	vld [tilespmem:s31+$0x0]  }
0xaa: {  	v20 =	vand.u32 $0x7F, v17;
	v16 =	vand.u32 $0xFFFFFC00, v16;
	v11 =	vor.u32 v11, v15;
	v15 =	vld [tilespmem:s31+$0xFFFFFF00]  }
0xab: {  	v18 =	vand.u32 $0xFFFFFC00, v18;
	v12 =	vor.u32 v12, v16;
	v16 =	vshll.u32 v17, $0x3  }
0xac: {  	v11 =	vadd.s32 v4, v11;
	v12 =	vadd.s32 v4, v12;
	v14 =	vor.u32 v14, v18  }
0xad: {  	v21 =	vand.u32 $0xFFFFFC00, v16;
	v14 =	vadd.s32 v4, v14;
	v18 =	vshll.u32 v10, $0x3  }
0xae: {  	s26 =	simm.s32 $0x4;
	s28 =	simm.s32 $0x520;
	[tilespmem:v19+s16+$0x0] =	vst.idx.add.f32.msk $0xffff, v2;
	v16 =	vand.u32 $0xFFFFFC00, v18;
	v17 =	vshll.u32 v13, $0x3;
	v18 =	vor.u32 v20, v21  }
.LBB2_8:
0xaf: {  	v19 =	vld [tilespmem:s28+$0x80];
	s26 =	sadd.s32 $0x4, s26;
	v20 =	vshll.u32 v15, $0x3;
	v17 =	vand.u32 $0xFFFFFC00, v17;
	v18 =	vadd.s32 v4, v18  }
0xb0: {  	v15 =	vand.u32 $0x7F, v15;
	v21 =	vand.u32 $0x7F, v10;
	p0 =	slt.u32 s26, $0xC4;
	v20 =	vand.u32 $0xFFFFFC00, v20;
	v10 =	vld [tilespmem:s28+$0xFFFFFF80]  }
0xb1: {  	v16 =	vor.u32 v21, v16;
	v21 =	vand.u32 $0x7F, v13;
	v20 =	vor.u32 v15, v20;
	v13 =	vld [tilespmem:s28+$0x0]  }
.Ltmp3:
0xb2: {  	v16 =	vadd.s32 v4, v16;
	v17 =	vor.u32 v21, v17;
	v15 =	vld [tilespmem:s28+$0xFFFFFF00];
	v20 =	vadd.s32 v4, v20;
	(pc) =	sbr.rel @p0 .LBB2_8-.Ltmp3, $4  }
0xb3: {  	v21 =	vadd.s32 v4, v17;
	[tilespmem:v14+s16+$0x0] =	vst.idx.add.f32.msk $0xffff, v2;
	v14 =	vmov v20  }
0xb4: {  	v17 =	vshll.u32 v19, $0x3;
	[tilespmem:v18+s16+$0x0] =	vst.idx.add.f32.msk $0xffff, v2  }
0xb5: {  	v19 =	vand.u32 $0x7F, v19;
	v18 =	vshll.u32 v10, $0x3;
	v20 =	vand.u32 $0xFFFFFC00, v17;
	[tilespmem:v11+s16+$0x0] =	vst.idx.add.f32.msk $0xffff, v2;
	v11 =	vmovc v16  }
0xb6: {  	s28 =	sadd.s32 $0x200, s28;
	v16 =	vand.u32 $0xFFFFFC00, v18;
	v17 =	vshll.u32 v13, $0x3;
	v18 =	vor.u32 v19, v20;
	[tilespmem:v12+s16+$0x0] =	vst.idx.add.f32.msk $0xffff, v2;
	v12 =	vmovc v21  }
0xb7: {  	v19 =	vshll.u32 v15, $0x3  }
0xb8: {  	v18 =	vadd.s32 v4, v18;
	v15 =	vand.u32 $0x7F, v15;
	v10 =	vand.u32 $0x7F, v10  }
0xb9: {  	v17 =	vand.u32 $0xFFFFFC00, v17;
	v13 =	vand.u32 $0x7F, v13;
	v10 =	vor.u32 v10, v16  }
0xba: {  	v19 =	vand.u32 $0xFFFFFC00, v19;
	v13 =	vor.u32 v13, v17;
	v10 =	vadd.s32 v4, v10  }
0xbb: {  	[tilespmem:v14+s16+$0x0] =	vst.idx.add.f32.msk $0xffff, v2;
	v15 =	vor.u32 v15, v19;
	v13 =	vadd.s32 v4, v13  }
0xbc: {  	[tilespmem:v11+s16+$0x0] =	vst.idx.add.f32.msk $0xffff, v2;
	v15 =	vadd.s32 v4, v15  }
0xbd: {  	[tilespmem:v12+s16+$0x0] =	vst.idx.add.f32.msk $0xffff, v2  }
0xbe: {  	[tilespmem:v18+s16+$0x0] =	vst.idx.add.f32.msk $0xffff, v2  }
0xbf: {  	[tilespmem:v10+s16+$0x0] =	vst.idx.add.f32.msk $0xffff, v2  }
0xc0: {  	[tilespmem:v13+s16+$0x0] =	vst.idx.add.f32.msk $0xffff, v2  }
0xc1: {  	s0 =	simm.s32 $0x130;
	[tilespmem:v15+s16+$0x0] =	vst.idx.add.f32.msk $0xffff, v2  }
0xc2: {  	[hbm4b:s6+s2] =	stream.linear.scatter [tilespmem:s18], [sflag:$0x2], $0x2000, $0x38;
	[tilespmem:$0x16400] =	vst v63  }
0xc3: {  	v10 =	vld [tilespmem:s0+$0x80]  }
0xc4: {  	v11 =	vld [tilespmem:s0+$0xFFFFFF80]  }
0xc5: {  	v12 =	vld [tilespmem:s0+$0x0]  }
0xc6: {  	v13 =	vld [tilespmem:s0+$0xFFFFFF00];
	_ =	sdelay $0x1  }
0xc7: {  	s31 =	simm.s32 $0x330  }
0xc8: {  	v17 =	vld [tilespmem:s31+$0x80]  }
0xc9: {  	v14 =	vshll.u32 v10, $0x3;
	v15 =	vshll.u32 v11, $0x3;
	v10 =	vand.u32 $0x7F, v10  }
0xca: {  	v16 =	vshll.u32 v12, $0x3;
	v18 =	vshll.u32 v13, $0x3;
	v14 =	vand.u32 $0xFFFFFC00, v14  }
0xcb: {  	v11 =	vand.u32 $0x7F, v11;
	v12 =	vand.u32 $0x7F, v12;
	v14 =	vor.u32 v10, v14;
	v10 =	vld [tilespmem:s31+$0xFFFFFF80]  }
0xcc: {  	v15 =	vand.u32 $0xFFFFFC00, v15;
	v19 =	vadd.s32 v5, v14;
	v14 =	vand.u32 $0x7F, v13;
	v13 =	vld [tilespmem:s31+$0x0]  }
0xcd: {  	v20 =	vand.u32 $0x7F, v17;
	v16 =	vand.u32 $0xFFFFFC00, v16;
	v11 =	vor.u32 v11, v15;
	v15 =	vld [tilespmem:s31+$0xFFFFFF00]  }
0xce: {  	v18 =	vand.u32 $0xFFFFFC00, v18;
	v12 =	vor.u32 v12, v16;
	v16 =	vshll.u32 v17, $0x3  }
0xcf: {  	v11 =	vadd.s32 v5, v11;
	v12 =	vadd.s32 v5, v12;
	v14 =	vor.u32 v14, v18  }
0xd0: {  	v21 =	vand.u32 $0xFFFFFC00, v16;
	v14 =	vadd.s32 v5, v14;
	v18 =	vshll.u32 v10, $0x3  }
0xd1: {  	s26 =	simm.s32 $0x4;
	s28 =	simm.s32 $0x530;
	[tilespmem:v19+s16+$0x0] =	vst.idx.add.f32.msk $0xffff, v2;
	v16 =	vand.u32 $0xFFFFFC00, v18;
	v17 =	vshll.u32 v13, $0x3;
	v18 =	vor.u32 v20, v21  }
.LBB2_10:
0xd2: {  	v19 =	vld [tilespmem:s28+$0x80];
	s26 =	sadd.s32 $0x4, s26;
	v20 =	vshll.u32 v15, $0x3;
	v17 =	vand.u32 $0xFFFFFC00, v17;
	v18 =	vadd.s32 v5, v18  }
0xd3: {  	v15 =	vand.u32 $0x7F, v15;
	v21 =	vand.u32 $0x7F, v10;
	p0 =	slt.u32 s26, $0xC4;
	v20 =	vand.u32 $0xFFFFFC00, v20;
	v10 =	vld [tilespmem:s28+$0xFFFFFF80]  }
0xd4: {  	v16 =	vor.u32 v21, v16;
	v21 =	vand.u32 $0x7F, v13;
	v20 =	vor.u32 v15, v20;
	v13 =	vld [tilespmem:s28+$0x0]  }
.Ltmp4:
0xd5: {  	v16 =	vadd.s32 v5, v16;
	v17 =	vor.u32 v21, v17;
	v15 =	vld [tilespmem:s28+$0xFFFFFF00];
	v20 =	vadd.s32 v5, v20;
	(pc) =	sbr.rel @p0 .LBB2_10-.Ltmp4, $4  }
0xd6: {  	v21 =	vadd.s32 v5, v17;
	[tilespmem:v14+s16+$0x0] =	vst.idx.add.f32.msk $0xffff, v2;
	v14 =	vmov v20  }
0xd7: {  	v17 =	vshll.u32 v19, $0x3;
	[tilespmem:v18+s16+$0x0] =	vst.idx.add.f32.msk $0xffff, v2  }
0xd8: {  	v19 =	vand.u32 $0x7F, v19;
	v18 =	vshll.u32 v10, $0x3;
	v20 =	vand.u32 $0xFFFFFC00, v17;
	[tilespmem:v11+s16+$0x0] =	vst.idx.add.f32.msk $0xffff, v2;
	v11 =	vmovc v16  }
0xd9: {  	s28 =	sadd.s32 $0x200, s28;
	v16 =	vand.u32 $0xFFFFFC00, v18;
	v17 =	vshll.u32 v13, $0x3;
	v18 =	vor.u32 v19, v20;
	[tilespmem:v12+s16+$0x0] =	vst.idx.add.f32.msk $0xffff, v2;
	v12 =	vmovc v21  }
0xda: {  	v19 =	vshll.u32 v15, $0x3  }
0xdb: {  	v18 =	vadd.s32 v5, v18;
	v15 =	vand.u32 $0x7F, v15;
	v10 =	vand.u32 $0x7F, v10  }
0xdc: {  	v17 =	vand.u32 $0xFFFFFC00, v17;
	v13 =	vand.u32 $0x7F, v13;
	v10 =	vor.u32 v10, v16  }
0xdd: {  	v19 =	vand.u32 $0xFFFFFC00, v19;
	v13 =	vor.u32 v13, v17;
	v10 =	vadd.s32 v5, v10  }
0xde: {  	[tilespmem:v14+s16+$0x0] =	vst.idx.add.f32.msk $0xffff, v2;
	v15 =	vor.u32 v15, v19;
	v13 =	vadd.s32 v5, v13  }
0xdf: {  	[tilespmem:v11+s16+$0x0] =	vst.idx.add.f32.msk $0xffff, v2;
	v15 =	vadd.s32 v5, v15  }
0xe0: {  	[tilespmem:v12+s16+$0x0] =	vst.idx.add.f32.msk $0xffff, v2  }
0xe1: {  	[tilespmem:v18+s16+$0x0] =	vst.idx.add.f32.msk $0xffff, v2  }
0xe2: {  	[tilespmem:v10+s16+$0x0] =	vst.idx.add.f32.msk $0xffff, v2  }
0xe3: {  	[tilespmem:v13+s16+$0x0] =	vst.idx.add.f32.msk $0xffff, v2  }
0xe4: {  	s0 =	simm.s32 $0x140;
	[tilespmem:v15+s16+$0x0] =	vst.idx.add.f32.msk $0xffff, v2  }
0xe5: {  	[hbm4b:s7+s2] =	stream.linear.scatter [tilespmem:s19], [sflag:$0x2], $0x2000, $0x38;
	[tilespmem:$0x16400] =	vst v63  }
0xe6: {  	v10 =	vld [tilespmem:s0+$0x80]  }
0xe7: {  	v11 =	vld [tilespmem:s0+$0xFFFFFF80]  }
0xe8: {  	v12 =	vld [tilespmem:s0+$0x0]  }
0xe9: {  	v13 =	vld [tilespmem:s0+$0xFFFFFF00];
	_ =	sdelay $0x1  }
0xea: {  	s31 =	simm.s32 $0x340  }
0xeb: {  	v17 =	vld [tilespmem:s31+$0x80]  }
0xec: {  	v14 =	vshll.u32 v10, $0x3;
	v15 =	vshll.u32 v11, $0x3;
	v10 =	vand.u32 $0x7F, v10  }
0xed: {  	v16 =	vshll.u32 v12, $0x3;
	v18 =	vshll.u32 v13, $0x3;
	v14 =	vand.u32 $0xFFFFFC00, v14  }
0xee: {  	v11 =	vand.u32 $0x7F, v11;
	v12 =	vand.u32 $0x7F, v12;
	v14 =	vor.u32 v10, v14;
	v10 =	vld [tilespmem:s31+$0xFFFFFF80]  }
0xef: {  	v15 =	vand.u32 $0xFFFFFC00, v15;
	v19 =	vadd.s32 v6, v14;
	v14 =	vand.u32 $0x7F, v13;
	v13 =	vld [tilespmem:s31+$0x0]  }
0xf0: {  	v20 =	vand.u32 $0x7F, v17;
	v16 =	vand.u32 $0xFFFFFC00, v16;
	v11 =	vor.u32 v11, v15;
	v15 =	vld [tilespmem:s31+$0xFFFFFF00]  }
0xf1: {  	v18 =	vand.u32 $0xFFFFFC00, v18;
	v12 =	vor.u32 v12, v16;
	v16 =	vshll.u32 v17, $0x3  }
0xf2: {  	v11 =	vadd.s32 v6, v11;
	v12 =	vadd.s32 v6, v12;
	v14 =	vor.u32 v14, v18  }
0xf3: {  	v21 =	vand.u32 $0xFFFFFC00, v16;
	v14 =	vadd.s32 v6, v14;
	v18 =	vshll.u32 v10, $0x3  }
0xf4: {  	s26 =	simm.s32 $0x4;
	s28 =	simm.s32 $0x540;
	[tilespmem:v19+s16+$0x0] =	vst.idx.add.f32.msk $0xffff, v2;
	v16 =	vand.u32 $0xFFFFFC00, v18;
	v17 =	vshll.u32 v13, $0x3;
	v18 =	vor.u32 v20, v21  }
.LBB2_12:
0xf5: {  	v19 =	vld [tilespmem:s28+$0x80];
	s26 =	sadd.s32 $0x4, s26;
	v20 =	vshll.u32 v15, $0x3;
	v17 =	vand.u32 $0xFFFFFC00, v17;
	v18 =	vadd.s32 v6, v18  }
0xf6: {  	v15 =	vand.u32 $0x7F, v15;
	v21 =	vand.u32 $0x7F, v10;
	p0 =	slt.u32 s26, $0xC4;
	v20 =	vand.u32 $0xFFFFFC00, v20;
	v10 =	vld [tilespmem:s28+$0xFFFFFF80]  }
0xf7: {  	v16 =	vor.u32 v21, v16;
	v21 =	vand.u32 $0x7F, v13;
	v20 =	vor.u32 v15, v20;
	v13 =	vld [tilespmem:s28+$0x0]  }
.Ltmp5:
0xf8: {  	v16 =	vadd.s32 v6, v16;
	v17 =	vor.u32 v21, v17;
	v15 =	vld [tilespmem:s28+$0xFFFFFF00];
	v20 =	vadd.s32 v6, v20;
	(pc) =	sbr.rel @p0 .LBB2_12-.Ltmp5, $4  }
0xf9: {  	v21 =	vadd.s32 v6, v17;
	[tilespmem:v14+s16+$0x0] =	vst.idx.add.f32.msk $0xffff, v2;
	v14 =	vmov v20  }
0xfa: {  	v17 =	vshll.u32 v19, $0x3;
	[tilespmem:v18+s16+$0x0] =	vst.idx.add.f32.msk $0xffff, v2  }
0xfb: {  	v19 =	vand.u32 $0x7F, v19;
	v18 =	vshll.u32 v10, $0x3;
	v20 =	vand.u32 $0xFFFFFC00, v17;
	[tilespmem:v11+s16+$0x0] =	vst.idx.add.f32.msk $0xffff, v2;
	v11 =	vmovc v16  }
0xfc: {  	s28 =	sadd.s32 $0x200, s28;
	v16 =	vand.u32 $0xFFFFFC00, v18;
	v17 =	vshll.u32 v13, $0x3;
	v18 =	vor.u32 v19, v20;
	[tilespmem:v12+s16+$0x0] =	vst.idx.add.f32.msk $0xffff, v2;
	v12 =	vmovc v21  }
0xfd: {  	v19 =	vshll.u32 v15, $0x3  }
0xfe: {  	v18 =	vadd.s32 v6, v18;
	v15 =	vand.u32 $0x7F, v15;
	v10 =	vand.u32 $0x7F, v10  }
0xff: {  	v17 =	vand.u32 $0xFFFFFC00, v17;
	v13 =	vand.u32 $0x7F, v13;
	v10 =	vor.u32 v10, v16  }
0x100: {  	v19 =	vand.u32 $0xFFFFFC00, v19;
	v13 =	vor.u32 v13, v17;
	v10 =	vadd.s32 v6, v10  }
0x101: {  	[tilespmem:v14+s16+$0x0] =	vst.idx.add.f32.msk $0xffff, v2;
	v15 =	vor.u32 v15, v19;
	v13 =	vadd.s32 v6, v13  }
0x102: {  	[tilespmem:v11+s16+$0x0] =	vst.idx.add.f32.msk $0xffff, v2;
	v15 =	vadd.s32 v6, v15  }
0x103: {  	[tilespmem:v12+s16+$0x0] =	vst.idx.add.f32.msk $0xffff, v2  }
0x104: {  	[tilespmem:v18+s16+$0x0] =	vst.idx.add.f32.msk $0xffff, v2  }
0x105: {  	[tilespmem:v10+s16+$0x0] =	vst.idx.add.f32.msk $0xffff, v2  }
0x106: {  	[tilespmem:v13+s16+$0x0] =	vst.idx.add.f32.msk $0xffff, v2  }
0x107: {  	s0 =	simm.s32 $0x150;
	[tilespmem:v15+s16+$0x0] =	vst.idx.add.f32.msk $0xffff, v2  }
0x108: {  	[hbm4b:s8+s2] =	stream.linear.scatter [tilespmem:s20], [sflag:$0x2], $0x2000, $0x38;
	[tilespmem:$0x16400] =	vst v63  }
0x109: {  	v10 =	vld [tilespmem:s0+$0x80]  }
0x10a: {  	v11 =	vld [tilespmem:s0+$0xFFFFFF80]  }
0x10b: {  	v12 =	vld [tilespmem:s0+$0x0]  }
0x10c: {  	v13 =	vld [tilespmem:s0+$0xFFFFFF00];
	_ =	sdelay $0x1  }
0x10d: {  	s31 =	simm.s32 $0x350  }
0x10e: {  	v17 =	vld [tilespmem:s31+$0x80]  }
0x10f: {  	v14 =	vshll.u32 v10, $0x3;
	v15 =	vshll.u32 v11, $0x3;
	v10 =	vand.u32 $0x7F, v10  }
0x110: {  	v16 =	vshll.u32 v12, $0x3;
	v18 =	vshll.u32 v13, $0x3;
	v14 =	vand.u32 $0xFFFFFC00, v14  }
0x111: {  	v11 =	vand.u32 $0x7F, v11;
	v12 =	vand.u32 $0x7F, v12;
	v14 =	vor.u32 v10, v14;
	v10 =	vld [tilespmem:s31+$0xFFFFFF80]  }
0x112: {  	v15 =	vand.u32 $0xFFFFFC00, v15;
	v19 =	vadd.s32 v7, v14;
	v14 =	vand.u32 $0x7F, v13;
	v13 =	vld [tilespmem:s31+$0x0]  }
0x113: {  	v20 =	vand.u32 $0x7F, v17;
	v16 =	vand.u32 $0xFFFFFC00, v16;
	v11 =	vor.u32 v11, v15;
	v15 =	vld [tilespmem:s31+$0xFFFFFF00]  }
0x114: {  	v18 =	vand.u32 $0xFFFFFC00, v18;
	v12 =	vor.u32 v12, v16;
	v16 =	vshll.u32 v17, $0x3  }
0x115: {  	v11 =	vadd.s32 v7, v11;
	v12 =	vadd.s32 v7, v12;
	v14 =	vor.u32 v14, v18  }
0x116: {  	v21 =	vand.u32 $0xFFFFFC00, v16;
	v14 =	vadd.s32 v7, v14;
	v18 =	vshll.u32 v10, $0x3  }
0x117: {  	s26 =	simm.s32 $0x4;
	s28 =	simm.s32 $0x550;
	[tilespmem:v19+s16+$0x0] =	vst.idx.add.f32.msk $0xffff, v2;
	v16 =	vand.u32 $0xFFFFFC00, v18;
	v17 =	vshll.u32 v13, $0x3;
	v18 =	vor.u32 v20, v21  }
.LBB2_14:
0x118: {  	v19 =	vld [tilespmem:s28+$0x80];
	s26 =	sadd.s32 $0x4, s26;
	v20 =	vshll.u32 v15, $0x3;
	v17 =	vand.u32 $0xFFFFFC00, v17;
	v18 =	vadd.s32 v7, v18  }
0x119: {  	v15 =	vand.u32 $0x7F, v15;
	v21 =	vand.u32 $0x7F, v10;
	p0 =	slt.u32 s26, $0xC4;
	v20 =	vand.u32 $0xFFFFFC00, v20;
	v10 =	vld [tilespmem:s28+$0xFFFFFF80]  }
0x11a: {  	v16 =	vor.u32 v21, v16;
	v21 =	vand.u32 $0x7F, v13;
	v20 =	vor.u32 v15, v20;
	v13 =	vld [tilespmem:s28+$0x0]  }
.Ltmp6:
0x11b: {  	v16 =	vadd.s32 v7, v16;
	v17 =	vor.u32 v21, v17;
	v15 =	vld [tilespmem:s28+$0xFFFFFF00];
	v20 =	vadd.s32 v7, v20;
	(pc) =	sbr.rel @p0 .LBB2_14-.Ltmp6, $4  }
0x11c: {  	v21 =	vadd.s32 v7, v17;
	[tilespmem:v14+s16+$0x0] =	vst.idx.add.f32.msk $0xffff, v2;
	v14 =	vmov v20  }
0x11d: {  	v17 =	vshll.u32 v19, $0x3;
	[tilespmem:v18+s16+$0x0] =	vst.idx.add.f32.msk $0xffff, v2  }
0x11e: {  	v19 =	vand.u32 $0x7F, v19;
	v18 =	vshll.u32 v10, $0x3;
	v20 =	vand.u32 $0xFFFFFC00, v17;
	[tilespmem:v11+s16+$0x0] =	vst.idx.add.f32.msk $0xffff, v2;
	v11 =	vmovc v16  }
0x11f: {  	s28 =	sadd.s32 $0x200, s28;
	v16 =	vand.u32 $0xFFFFFC00, v18;
	v17 =	vshll.u32 v13, $0x3;
	v18 =	vor.u32 v19, v20;
	[tilespmem:v12+s16+$0x0] =	vst.idx.add.f32.msk $0xffff, v2;
	v12 =	vmovc v21  }
0x120: {  	v19 =	vshll.u32 v15, $0x3  }
0x121: {  	v18 =	vadd.s32 v7, v18;
	v15 =	vand.u32 $0x7F, v15;
	v10 =	vand.u32 $0x7F, v10  }
0x122: {  	v17 =	vand.u32 $0xFFFFFC00, v17;
	v13 =	vand.u32 $0x7F, v13;
	v10 =	vor.u32 v10, v16  }
0x123: {  	v19 =	vand.u32 $0xFFFFFC00, v19;
	v13 =	vor.u32 v13, v17;
	v10 =	vadd.s32 v7, v10  }
0x124: {  	[tilespmem:v14+s16+$0x0] =	vst.idx.add.f32.msk $0xffff, v2;
	v15 =	vor.u32 v15, v19;
	v13 =	vadd.s32 v7, v13  }
0x125: {  	[tilespmem:v11+s16+$0x0] =	vst.idx.add.f32.msk $0xffff, v2;
	v15 =	vadd.s32 v7, v15  }
0x126: {  	[tilespmem:v12+s16+$0x0] =	vst.idx.add.f32.msk $0xffff, v2  }
0x127: {  	[tilespmem:v18+s16+$0x0] =	vst.idx.add.f32.msk $0xffff, v2  }
0x128: {  	[tilespmem:v10+s16+$0x0] =	vst.idx.add.f32.msk $0xffff, v2  }
0x129: {  	[tilespmem:v13+s16+$0x0] =	vst.idx.add.f32.msk $0xffff, v2  }
0x12a: {  	s0 =	simm.s32 $0x160;
	[tilespmem:v15+s16+$0x0] =	vst.idx.add.f32.msk $0xffff, v2  }
0x12b: {  	[hbm4b:s9+s2] =	stream.linear.scatter [tilespmem:s21], [sflag:$0x2], $0x2000, $0x38;
	[tilespmem:$0x16400] =	vst v63  }
0x12c: {  	v10 =	vld [tilespmem:s0+$0x80]  }
0x12d: {  	v11 =	vld [tilespmem:s0+$0xFFFFFF80]  }
0x12e: {  	v12 =	vld [tilespmem:s0+$0x0]  }
0x12f: {  	v13 =	vld [tilespmem:s0+$0xFFFFFF00];
	_ =	sdelay $0x1  }
0x130: {  	s31 =	simm.s32 $0x360  }
0x131: {  	v17 =	vld [tilespmem:s31+$0x80]  }
0x132: {  	v14 =	vshll.u32 v10, $0x3;
	v15 =	vshll.u32 v11, $0x3;
	v10 =	vand.u32 $0x7F, v10  }
0x133: {  	v16 =	vshll.u32 v12, $0x3;
	v18 =	vshll.u32 v13, $0x3;
	v14 =	vand.u32 $0xFFFFFC00, v14  }
0x134: {  	v11 =	vand.u32 $0x7F, v11;
	v12 =	vand.u32 $0x7F, v12;
	v14 =	vor.u32 v10, v14;
	v10 =	vld [tilespmem:s31+$0xFFFFFF80]  }
0x135: {  	v15 =	vand.u32 $0xFFFFFC00, v15;
	v19 =	vadd.s32 v8, v14;
	v14 =	vand.u32 $0x7F, v13;
	v13 =	vld [tilespmem:s31+$0x0]  }
0x136: {  	v20 =	vand.u32 $0x7F, v17;
	v16 =	vand.u32 $0xFFFFFC00, v16;
	v11 =	vor.u32 v11, v15;
	v15 =	vld [tilespmem:s31+$0xFFFFFF00]  }
0x137: {  	v18 =	vand.u32 $0xFFFFFC00, v18;
	v12 =	vor.u32 v12, v16;
	v16 =	vshll.u32 v17, $0x3  }
0x138: {  	v11 =	vadd.s32 v8, v11;
	v12 =	vadd.s32 v8, v12;
	v14 =	vor.u32 v14, v18  }
0x139: {  	v21 =	vand.u32 $0xFFFFFC00, v16;
	v14 =	vadd.s32 v8, v14;
	v18 =	vshll.u32 v10, $0x3  }
0x13a: {  	s26 =	simm.s32 $0x4;
	s28 =	simm.s32 $0x560;
	[tilespmem:v19+s16+$0x0] =	vst.idx.add.f32.msk $0xffff, v2;
	v16 =	vand.u32 $0xFFFFFC00, v18;
	v17 =	vshll.u32 v13, $0x3;
	v18 =	vor.u32 v20, v21  }
.LBB2_16:
0x13b: {  	v19 =	vld [tilespmem:s28+$0x80];
	s26 =	sadd.s32 $0x4, s26;
	v20 =	vshll.u32 v15, $0x3;
	v17 =	vand.u32 $0xFFFFFC00, v17;
	v18 =	vadd.s32 v8, v18  }
0x13c: {  	v15 =	vand.u32 $0x7F, v15;
	v21 =	vand.u32 $0x7F, v10;
	p0 =	slt.u32 s26, $0xC4;
	v20 =	vand.u32 $0xFFFFFC00, v20;
	v10 =	vld [tilespmem:s28+$0xFFFFFF80]  }
0x13d: {  	v16 =	vor.u32 v21, v16;
	v21 =	vand.u32 $0x7F, v13;
	v20 =	vor.u32 v15, v20;
	v13 =	vld [tilespmem:s28+$0x0]  }
.Ltmp7:
0x13e: {  	v16 =	vadd.s32 v8, v16;
	v17 =	vor.u32 v21, v17;
	v15 =	vld [tilespmem:s28+$0xFFFFFF00];
	v20 =	vadd.s32 v8, v20;
	(pc) =	sbr.rel @p0 .LBB2_16-.Ltmp7, $4  }
0x13f: {  	v21 =	vadd.s32 v8, v17;
	[tilespmem:v14+s16+$0x0] =	vst.idx.add.f32.msk $0xffff, v2;
	v14 =	vmov v20  }
0x140: {  	v17 =	vshll.u32 v19, $0x3;
	[tilespmem:v18+s16+$0x0] =	vst.idx.add.f32.msk $0xffff, v2  }
0x141: {  	v19 =	vand.u32 $0x7F, v19;
	v18 =	vshll.u32 v10, $0x3;
	v20 =	vand.u32 $0xFFFFFC00, v17;
	[tilespmem:v11+s16+$0x0] =	vst.idx.add.f32.msk $0xffff, v2;
	v11 =	vmovc v16  }
0x142: {  	s28 =	sadd.s32 $0x200, s28;
	v16 =	vand.u32 $0xFFFFFC00, v18;
	v17 =	vshll.u32 v13, $0x3;
	v18 =	vor.u32 v19, v20;
	[tilespmem:v12+s16+$0x0] =	vst.idx.add.f32.msk $0xffff, v2;
	v12 =	vmovc v21  }
0x143: {  	v19 =	vshll.u32 v15, $0x3  }
0x144: {  	v18 =	vadd.s32 v8, v18;
	v15 =	vand.u32 $0x7F, v15;
	v10 =	vand.u32 $0x7F, v10  }
0x145: {  	v17 =	vand.u32 $0xFFFFFC00, v17;
	v13 =	vand.u32 $0x7F, v13;
	v10 =	vor.u32 v10, v16  }
0x146: {  	v19 =	vand.u32 $0xFFFFFC00, v19;
	v13 =	vor.u32 v13, v17;
	v10 =	vadd.s32 v8, v10  }
0x147: {  	[tilespmem:v14+s16+$0x0] =	vst.idx.add.f32.msk $0xffff, v2;
	v15 =	vor.u32 v15, v19;
	v13 =	vadd.s32 v8, v13  }
0x148: {  	[tilespmem:v11+s16+$0x0] =	vst.idx.add.f32.msk $0xffff, v2;
	v15 =	vadd.s32 v8, v15  }
0x149: {  	[tilespmem:v12+s16+$0x0] =	vst.idx.add.f32.msk $0xffff, v2  }
0x14a: {  	[tilespmem:v18+s16+$0x0] =	vst.idx.add.f32.msk $0xffff, v2  }
0x14b: {  	[tilespmem:v10+s16+$0x0] =	vst.idx.add.f32.msk $0xffff, v2  }
0x14c: {  	[tilespmem:v13+s16+$0x0] =	vst.idx.add.f32.msk $0xffff, v2  }
0x14d: {  	s0 =	simm.s32 $0x170;
	[tilespmem:v15+s16+$0x0] =	vst.idx.add.f32.msk $0xffff, v2  }
0x14e: {  	[hbm4b:s10+s2] =	stream.linear.scatter [tilespmem:s22], [sflag:$0x2], $0x2000, $0x38;
	[tilespmem:$0x16400] =	vst v63  }
0x14f: {  	v10 =	vld [tilespmem:s0+$0x80]  }
0x150: {  	v11 =	vld [tilespmem:s0+$0xFFFFFF80]  }
0x151: {  	v12 =	vld [tilespmem:s0+$0x0]  }
0x152: {  	v13 =	vld [tilespmem:s0+$0xFFFFFF00];
	_ =	sdelay $0x1  }
0x153: {  	s31 =	simm.s32 $0x370  }
0x154: {  	v17 =	vld [tilespmem:s31+$0x80]  }
0x155: {  	v14 =	vshll.u32 v10, $0x3;
	v15 =	vshll.u32 v11, $0x3;
	v10 =	vand.u32 $0x7F, v10  }
0x156: {  	v16 =	vshll.u32 v12, $0x3;
	v18 =	vshll.u32 v13, $0x3;
	v14 =	vand.u32 $0xFFFFFC00, v14  }
0x157: {  	v11 =	vand.u32 $0x7F, v11;
	v12 =	vand.u32 $0x7F, v12;
	v14 =	vor.u32 v10, v14;
	v10 =	vld [tilespmem:s31+$0xFFFFFF80]  }
0x158: {  	v15 =	vand.u32 $0xFFFFFC00, v15;
	v19 =	vadd.s32 v9, v14;
	v14 =	vand.u32 $0x7F, v13;
	v13 =	vld [tilespmem:s31+$0x0]  }
0x159: {  	v20 =	vand.u32 $0x7F, v17;
	v16 =	vand.u32 $0xFFFFFC00, v16;
	v11 =	vor.u32 v11, v15;
	v15 =	vld [tilespmem:s31+$0xFFFFFF00]  }
0x15a: {  	v18 =	vand.u32 $0xFFFFFC00, v18;
	v12 =	vor.u32 v12, v16;
	v16 =	vshll.u32 v17, $0x3  }
0x15b: {  	v11 =	vadd.s32 v9, v11;
	v12 =	vadd.s32 v9, v12;
	v14 =	vor.u32 v14, v18  }
0x15c: {  	v21 =	vand.u32 $0xFFFFFC00, v16;
	v14 =	vadd.s32 v9, v14;
	v18 =	vshll.u32 v10, $0x3  }
0x15d: {  	s26 =	simm.s32 $0x4;
	s28 =	simm.s32 $0x570;
	[tilespmem:v19+s16+$0x0] =	vst.idx.add.f32.msk $0xffff, v2;
	v16 =	vand.u32 $0xFFFFFC00, v18;
	v17 =	vshll.u32 v13, $0x3;
	v18 =	vor.u32 v20, v21  }
.LBB2_18:
0x15e: {  	v19 =	vld [tilespmem:s28+$0x80];
	s26 =	sadd.s32 $0x4, s26;
	v20 =	vshll.u32 v15, $0x3;
	v17 =	vand.u32 $0xFFFFFC00, v17;
	v18 =	vadd.s32 v9, v18  }
0x15f: {  	v15 =	vand.u32 $0x7F, v15;
	v21 =	vand.u32 $0x7F, v10;
	p0 =	slt.u32 s26, $0xC4;
	v20 =	vand.u32 $0xFFFFFC00, v20;
	v10 =	vld [tilespmem:s28+$0xFFFFFF80]  }
0x160: {  	v16 =	vor.u32 v21, v16;
	v21 =	vand.u32 $0x7F, v13;
	v20 =	vor.u32 v15, v20;
	v13 =	vld [tilespmem:s28+$0x0]  }
.Ltmp8:
0x161: {  	v16 =	vadd.s32 v9, v16;
	v17 =	vor.u32 v21, v17;
	v15 =	vld [tilespmem:s28+$0xFFFFFF00];
	v20 =	vadd.s32 v9, v20;
	(pc) =	sbr.rel @p0 .LBB2_18-.Ltmp8, $4  }
0x162: {  	v21 =	vadd.s32 v9, v17;
	[tilespmem:v14+s16+$0x0] =	vst.idx.add.f32.msk $0xffff, v2;
	v14 =	vmov v20  }
0x163: {  	v17 =	vshll.u32 v19, $0x3;
	[tilespmem:v18+s16+$0x0] =	vst.idx.add.f32.msk $0xffff, v2  }
0x164: {  	v19 =	vand.u32 $0x7F, v19;
	v18 =	vshll.u32 v10, $0x3;
	v20 =	vand.u32 $0xFFFFFC00, v17;
	[tilespmem:v11+s16+$0x0] =	vst.idx.add.f32.msk $0xffff, v2;
	v11 =	vmovc v16  }
0x165: {  	s28 =	sadd.s32 $0x200, s28;
	v16 =	vand.u32 $0xFFFFFC00, v18;
	v17 =	vshll.u32 v13, $0x3;
	v18 =	vor.u32 v19, v20;
	[tilespmem:v12+s16+$0x0] =	vst.idx.add.f32.msk $0xffff, v2;
	v12 =	vmovc v21  }
0x166: {  	v19 =	vshll.u32 v15, $0x3  }
0x167: {  	v18 =	vadd.s32 v9, v18;
	v63 =	vand.u32 $0x7F, v15;
	v10 =	vand.u32 $0x7F, v10  }
0x168: {  	v17 =	vand.u32 $0xFFFFFC00, v17;
	v13 =	vand.u32 $0x7F, v13;
	v10 =	vor.u32 v10, v16  }
0x169: {  	v19 =	vand.u32 $0xFFFFFC00, v19;
	v13 =	vor.u32 v13, v17;
	v10 =	vadd.s32 v9, v10  }
0x16a: {  	[tilespmem:v14+s16+$0x0] =	vst.idx.add.f32.msk $0xffff, v2;
	v15 =	vor.u32 v63, v19;
	v13 =	vadd.s32 v9, v13  }
0x16b: {  	[tilespmem:v11+s16+$0x0] =	vst.idx.add.f32.msk $0xffff, v2;
	v15 =	vadd.s32 v9, v15  }
0x16c: {  	[tilespmem:v12+s16+$0x0] =	vst.idx.add.f32.msk $0xffff, v2  }
0x16d: {  	[tilespmem:v18+s16+$0x0] =	vst.idx.add.f32.msk $0xffff, v2  }
0x16e: {  	[tilespmem:v10+s16+$0x0] =	vst.idx.add.f32.msk $0xffff, v2  }
0x16f: {  	[tilespmem:v13+s16+$0x0] =	vst.idx.add.f32.msk $0xffff, v2  }
0x170: {  	[tilespmem:v15+s16+$0x0] =	vst.idx.add.f32.msk $0xffff, v2  }
0x171: {  	[hbm4b:s11+s2] =	stream.linear.scatter [tilespmem:s23], [sflag:$0x2], $0x2000, $0x38;
	[tilespmem:$0x16400] =	vst v63  }
0x172: {  	_ =	swait.ge [sflag:s24], $0x2000  }
0x173: {  	[sflag:s24] =	ssyncset.done $0x0  }
0x174: {  	[sflag:s24] =	ssyncadd.s32 $0xFFFFE000  }
0x175: {  	_ =	swait.ge [sflag:s24], $0x2000  }
0x176: {  	[sflag:s24] =	ssyncset.done $0x0  }
0x177: {  	[sflag:s24] =	ssyncadd.s32 $0xFFFFE000  }
0x178: {  	_ =	swait.ge [sflag:s24], $0x2000  }
0x179: {  	[sflag:s24] =	ssyncset.done $0x0  }
0x17a: {  	[sflag:s24] =	ssyncadd.s32 $0xFFFFE000  }
0x17b: {  	_ =	swait.ge [sflag:s24], $0x2000  }
0x17c: {  	[sflag:s24] =	ssyncset.done $0x0  }
0x17d: {  	[sflag:s24] =	ssyncadd.s32 $0xFFFFE000  }
0x17e: {  	_ =	swait.ge [sflag:s24], $0x2000  }
0x17f: {  	[sflag:s24] =	ssyncset.done $0x0  }
0x180: {  	[sflag:s24] =	ssyncadd.s32 $0xFFFFE000  }
0x181: {  	_ =	swait.ge [sflag:s24], $0x2000  }
0x182: {  	[sflag:s24] =	ssyncset.done $0x0  }
0x183: {  	s25 =	sadd.s32 $0x1, s25;
	[sflag:s24] =	ssyncadd.s32 $0xFFFFE000  }
0x184: {  	p0 =	sne.s32 s25, s12;
	_ =	swait.ge [sflag:s24], $0x2000  }
.Ltmp9:
0x185: {  	[sflag:s24] =	ssyncset.done $0x0;
	(pc) =	sbr.rel @p0 .LBB2_1-.Ltmp9, $4  }
0x186: {  	[sflag:s24] =	ssyncadd.s32 $0xFFFFE000  }
0x187: {  	_ =	swait.ge [sflag:s24], $0x2000  }
0x188: {  	[sflag:s24] =	ssyncset.done $0x0  }
0x189: {  	[sflag:s24] =	ssyncadd.s32 $0xFFFFE000  }
0x18a: {  	_ =	sfence.sel $0x180000  }
0x18b: {  	[bflag:$0x0] =	sbarrier.arrive $0xFFFF  }
0x18c: {  	_ =	strace $0x90000047  }
0x18d: {  	[bflag:$0x2] =	sbarrier.arrive $0xFFFF  }
0x18e: {  	p0 =	sne.s32 s1, $0x0;
	s0 =	rddreg [dreg:$0x2]  }
0x18f: {  	s0 =	sadd.s32 @!p0 $0x100000, s0  }
0x190: {  	[sflag:s0] =	ssyncadd.tile.s32 @!p0 $0x1;
	_ =	shalt  }
.Lfunc_end2:
_tile_overlayer_lowered:
.L_overlay_start_2:
0x191: {  	(tag) =	ssettag $0x2  }
0x192: {  	s0 =	rddreg [dreg:$0x0];
	s2 =	stileid.u32  }
0x193: {  	s1 =	rddreg [dreg:$0x1];
	p0 =	sne.s32 s2, $0x0  }
0x194: {  	s3 =	rddreg [dreg:$0x2];
	[bflag:$0x3] =	sbarrier.arrive $0xFFFF;
	s2 =	simm.s32 @!p0 $0x1C03  }
0x195: {  	[timem:s3], [sflag:s2] =	dma.local @!p0 [hbm:s0], s1  }
0x196: {  	s0 =	simm.s32 @!p0 $0x3  }
0x197: {  	_ =	swait.ge @!p0 [sflag:s0], s1  }
0x198: {  	s1 =	ssub.s32 @!p0 $0x0, s1;
	[sflag:s0] =	ssyncset.done @!p0 $0x0  }
0x199: {  	[sflag:s0] =	ssyncadd.s32 @!p0 s1  }
0x19a: {  	[bflag:$0x3] =	sbarrier.arrive $0xFFFF  }
0x19b: {  	_ =	shalt  }

</sc_bundles>
